<compile_context>
chip_gen: v7x
topology: tpu7x:2x2x1
jax: 0.10.2.dev20260603
libtpu: 0.0.44.dev20260713+nightly
codegen_flags: <defaults>
</compile_context>

<pallas_src>
import functools

import jax
import jax.numpy as jnp
from jax import lax
from jax.experimental import pallas as pl
from jax.experimental.pallas import tpu as pltpu
from jax.experimental.pallas import tpu_sc as plsc

B = 16384
L = 200
V = 20000
D = 50
DP = 64
NC, NS = 2, 16
NW = NC * NS
RPW = B // NW
G = 100
CH = 64
NCH = RPW // CH


def _mesh():
    return plsc.VectorSubcoreMesh(
        core_axis_name="c", subcore_axis_name="s", num_cores=NC, num_subcores=NS
    )


@functools.partial(
    pl.kernel,
    out_type=jax.ShapeDtypeStruct((B,), jnp.float32),
    mesh=_mesh(),
    scratch_types=[
        pltpu.VMEM((2 * CH, G), jnp.int32),
        pltpu.VMEM((2, G, DP), jnp.float32),
        pltpu.VMEM((RPW,), jnp.float32),
        pltpu.VMEM((2, DP), jnp.float32),
        pltpu.VMEM((16,), jnp.float32),
        pltpu.SemaphoreType.DMA,
        pltpu.SemaphoreType.DMA,
    ],
    compiler_params=pltpu.CompilerParams(
        needs_layout_passes=False, use_tc_tiling_on_sc=False
    ),
)
def _sc_embed_mlp(x2_hbm, table_hbm, w1_hbm, par_hbm, out_hbm,
                  idx_v, db, out_v, w1_v, par_v, sem0, sem1):
    wid = lax.axis_index("s") * NC + lax.axis_index("c")
    sems = (sem0, sem1)

    pltpu.sync_copy(w1_hbm, w1_v)
    pltpu.sync_copy(par_hbm, par_v)

    w1c = [[w1_v[j, pl.ds(16 * k, 16)] for k in range(4)] for j in range(2)]
    pv = par_v[pl.ds(0, 16)]
    b1_0 = pv[0]
    b1_1 = pv[1]
    w2_0 = pv[2]
    w2_1 = pv[3]
    b2_0 = pv[4]
    lane_iota = lax.iota(jnp.int32, 16)

    def issue(g, b):
        pltpu.async_copy(table_hbm.at[idx_v.at[g]], db.at[b], sems[b])

    def wait(g, b):
        pltpu.make_async_copy(table_hbm.at[idx_v.at[g]], db.at[b], sems[b]).wait()

    def accumulate(b, acc):
        def body(jc, a):
            a = list(a)
            for u in range(4):
                j = jc * 4 + u
                for k in range(4):
                    a[k] = a[k] + db[b, j, pl.ds(16 * k, 16)]
            return tuple(a)
        return lax.fori_loop(0, G // 4, body, acc)

    def finish_row(r, acc, vec):
        m = [jnp.maximum(a, 0.0) for a in acc]
        t0 = m[0] * w1c[0][0] + m[1] * w1c[0][1] + m[2] * w1c[0][2] + m[3] * w1c[0][3]
        t1 = m[0] * w1c[1][0] + m[1] * w1c[1][1] + m[2] * w1c[1][2] + m[3] * w1c[1][3]
        e0 = jnp.sum(t0) + b1_0
        e1 = jnp.sum(t1) + b1_1
        l0 = jnp.maximum(e0, 0.0) + 0.01 * jnp.minimum(e0, 0.0)
        l1 = jnp.maximum(e1, 0.0) + 0.01 * jnp.minimum(e1, 0.0)
        res = l0 * w2_0 + l1 * w2_1 + b2_0
        lane = r & 15
        vec = jnp.where(lane_iota == lane, res, vec)

        @pl.when(lane == 15)
        def _():
            out_v[pl.ds(r - 15, 16)] = vec

        return vec

    zero = jnp.zeros((16,), jnp.float32)

    def chunk(c, vec):
        pltpu.sync_copy(x2_hbm.at[pl.ds(wid * 2 * RPW + c * 2 * CH, 2 * CH)], idx_v)
        issue(0, 0)
        issue(1, 1)

        def row(i, carry):
            vec, acc = carry
            for h in range(2):
                g = 2 * i + h
                wait(g, h)
                acc = accumulate(h, acc)

                @pl.when(g + 2 < 2 * CH)
                def _():
                    issue(g + 2, h)

                if h == 1:
                    vec = finish_row(c * CH + i, acc, vec)
                    acc = (zero, zero, zero, zero)
            return vec, acc

        vec, _ = lax.fori_loop(0, CH, row, (vec, (zero, zero, zero, zero)))
        return vec

    lax.fori_loop(0, NCH, chunk, zero)

    pltpu.sync_copy(out_v, out_hbm.at[pl.ds(wid * RPW, RPW)])


def kernel(x, table, W1, b1, W2, b2):
    x2 = x.astype(jnp.int32).reshape(2 * B, G)
    tpad = jnp.pad(table, ((0, 0), (0, DP - D)))
    w1s = (jnp.pad(W1, ((0, DP - D), (0, 0))).T * (1.0 / L)).astype(jnp.float32)
    par = jnp.concatenate(
        [b1, W2[:, 0], b2, jnp.zeros((11,), jnp.float32)]
    ).astype(jnp.float32)
    return _sc_embed_mlp(x2, tpad, w1s, par)

# --- scband reference (transcript-rebuilt; emitter-appended) ---
"""Pipeline reference for scband-text-classifier-embeddings-77627238908393 (READ-ONLY COPY).

The authoritative reference and input builder live on the scoring server;
editing this copy changes nothing except your own understanding.
"""

import jax, jax.numpy as jnp
import numpy as np

VOCAB = 20000
EMB = 50

def setup_inputs(seed: int = 0) -> dict:
    key = jax.random.key(seed)
    k1, k2, k3, k4, k5, k6 = jax.random.split(key, 6)
    x = jax.random.randint(k1, (16384, 200), 0, VOCAB, dtype=jnp.int64 if jax.config.jax_enable_x64 else jnp.int32)
    # glorot_normal init for embedding table (fan_in=VOCAB, fan_out=EMB)
    std_emb = (2.0 / (VOCAB + EMB)) ** 0.5
    table = jax.random.normal(k2, (VOCAB, EMB), dtype=jnp.float32) * std_emb
    # Dense(50 -> 2): lecun_normal default in flax
    W1 = jax.random.normal(k3, (EMB, 2), dtype=jnp.float32) * (1.0 / EMB) ** 0.5
    b1 = jnp.zeros((2,), dtype=jnp.float32)
    # Dense(2 -> 1)
    W2 = jax.random.normal(k4, (2, 1), dtype=jnp.float32) * (1.0 / 2.0) ** 0.5
    b2 = jnp.zeros((1,), dtype=jnp.float32)
    return {"x": x, "table": table, "W1": W1, "b1": b1, "W2": W2, "b2": b2}

def reference(x, table, W1, b1, W2, b2):
    # nn.Embed lookup
    h = jnp.take(table, x, axis=0)            # [B, L, EMB]
    h = jnp.mean(h, axis=1)                   # [B, EMB]
    h = jax.nn.relu(h)
    # Dropout(0.7, deterministic=True) -> identity (train=False)
    h = jax.nn.leaky_relu(h)                  # default negative_slope=0.01
    h = h @ W1 + b1                           # Dense(features=2)
    h = jax.nn.leaky_relu(h)
    # Dropout(0.8, deterministic=True) -> identity
    h = h @ W2 + b2                           # Dense(features=1)
    return h.squeeze(axis=-1)                 # [B]

if __name__ == "__main__":
    import jax
    _d = setup_inputs()
    print(jax.jit(kernel)(*tuple(_d.values())))

</pallas_src>

<mosaic_0001>
#map = affine_map<(d0, d1) -> (0, 0)>
#map1 = affine_map<(d0, d1) -> (0)>
module attributes {stable_mosaic.version = 14 : i64} {
  func.func @_sc_embed_mlp(%arg0: i32, %arg1: i32, %arg2: memref<32768x100xi32, #tpu.memory_space<hbm>>, %arg3: memref<20000x64xf32, #tpu.memory_space<hbm>>, %arg4: memref<2x64xf32, #tpu.memory_space<hbm>>, %arg5: memref<16xf32, #tpu.memory_space<hbm>>, %arg6: memref<16384xf32, #tpu.memory_space<hbm>>, %arg7: memref<128x100xi32, #tpu.memory_space<vmem>>, %arg8: memref<2x100x64xf32, #tpu.memory_space<vmem>>, %arg9: memref<512xf32, #tpu.memory_space<vmem>>, %arg10: memref<2x64xf32, #tpu.memory_space<vmem>>, %arg11: memref<16xf32, #tpu.memory_space<vmem>>, %arg12: memref<!tpu.dma_semaphore, #tpu.memory_space<semaphore_mem>>, %arg13: memref<!tpu.dma_semaphore, #tpu.memory_space<semaphore_mem>>) attributes {dimension_semantics = [#tpu.dimension_semantics<core_parallel>, #tpu.dimension_semantics<subcore_parallel>], iteration_bounds = array<i64: 2, 16>, scalar_prefetch = 0 : i64, scratch_operands = 7 : i64, tpu.core_type = #tpu.core_type<sc_vector_subcore>, window_params = [{transform_indices = #map}, {transform_indices = #map}, {transform_indices = #map}, {transform_indices = #map1}, {transform_indices = #map1}]} {
    %mul3A = arith.constant 2 : i32
    %mul3A_0 = arith.muli %arg1, %mul3A : i32
    %add3A = arith.addi %mul3A_0, %arg0 : i32
    "tpu.region"() ({
      %run_scoped3A = tpu.sem_alloc : memref<!tpu.dma_semaphore, #tpu.memory_space<semaphore_mem>>
      tpu.enqueue_dma source(%arg4 : memref<2x64xf32, #tpu.memory_space<hbm>>) target(%arg10 : memref<2x64xf32, #tpu.memory_space<vmem>>) target_semaphore(%run_scoped3A : memref<!tpu.dma_semaphore, #tpu.memory_space<semaphore_mem>>)
      tpu.wait_dma2 semaphore(%run_scoped3A : memref<!tpu.dma_semaphore, #tpu.memory_space<semaphore_mem>>) src(%arg4 : memref<2x64xf32, #tpu.memory_space<hbm>>) dst(%arg10 : memref<2x64xf32, #tpu.memory_space<vmem>>)
      tpu.yield
    }) : () -> ()
    "tpu.region"() ({
      %run_scoped3A = tpu.sem_alloc : memref<!tpu.dma_semaphore, #tpu.memory_space<semaphore_mem>>
      tpu.enqueue_dma source(%arg5 : memref<16xf32, #tpu.memory_space<hbm>>) target(%arg11 : memref<16xf32, #tpu.memory_space<vmem>>) target_semaphore(%run_scoped3A : memref<!tpu.dma_semaphore, #tpu.memory_space<semaphore_mem>>)
      tpu.wait_dma2 semaphore(%run_scoped3A : memref<!tpu.dma_semaphore, #tpu.memory_space<semaphore_mem>>) src(%arg5 : memref<16xf32, #tpu.memory_space<hbm>>) dst(%arg11 : memref<16xf32, #tpu.memory_space<vmem>>)
      tpu.yield
    }) : () -> ()
    %get3A = arith.constant 0 : i32
    %get3A_1 = arith.index_cast %get3A : i32 to index
    %get3A_2 = arith.constant 0 : index
    %get3A_3 = tpu.vector_load %arg10[%get3A_1, %get3A_2] {strides = array<i32>} : memref<2x64xf32, #tpu.memory_space<vmem>>, vector<16xf32>,
    %get3A_4 = arith.constant 0 : i32
    %get3A_5 = arith.index_cast %get3A_4 : i32 to index
    %get3A_6 = arith.constant 16 : index
    %get3A_7 = tpu.vector_load %arg10[%get3A_5, %get3A_6] {strides = array<i32>} : memref<2x64xf32, #tpu.memory_space<vmem>>, vector<16xf32>,
    %get3A_8 = arith.constant 0 : i32
    %get3A_9 = arith.index_cast %get3A_8 : i32 to index
    %get3A_10 = arith.constant 32 : index
    %get3A_11 = tpu.vector_load %arg10[%get3A_9, %get3A_10] {strides = array<i32>} : memref<2x64xf32, #tpu.memory_space<vmem>>, vector<16xf32>,
    %get3A_12 = arith.constant 0 : i32
    %get3A_13 = arith.index_cast %get3A_12 : i32 to index
    %get3A_14 = arith.constant 48 : index
    %get3A_15 = tpu.vector_load %arg10[%get3A_13, %get3A_14] {strides = array<i32>} : memref<2x64xf32, #tpu.memory_space<vmem>>, vector<16xf32>,
    %get3A_16 = arith.constant 1 : i32
    %get3A_17 = arith.index_cast %get3A_16 : i32 to index
    %get3A_18 = arith.constant 0 : index
    %get3A_19 = tpu.vector_load %arg10[%get3A_17, %get3A_18] {strides = array<i32>} : memref<2x64xf32, #tpu.memory_space<vmem>>, vector<16xf32>,
    %get3A_20 = arith.constant 1 : i32
    %get3A_21 = arith.index_cast %get3A_20 : i32 to index
    %get3A_22 = arith.constant 16 : index
    %get3A_23 = tpu.vector_load %arg10[%get3A_21, %get3A_22] {strides = array<i32>} : memref<2x64xf32, #tpu.memory_space<vmem>>, vector<16xf32>,
    %get3A_24 = arith.constant 1 : i32
    %get3A_25 = arith.index_cast %get3A_24 : i32 to index
    %get3A_26 = arith.constant 32 : index
    %get3A_27 = tpu.vector_load %arg10[%get3A_25, %get3A_26] {strides = array<i32>} : memref<2x64xf32, #tpu.memory_space<vmem>>, vector<16xf32>,
    %get3A_28 = arith.constant 1 : i32
    %get3A_29 = arith.index_cast %get3A_28 : i32 to index
    %get3A_30 = arith.constant 48 : index
    %get3A_31 = tpu.vector_load %arg10[%get3A_29, %get3A_30] {strides = array<i32>} : memref<2x64xf32, #tpu.memory_space<vmem>>, vector<16xf32>,
    %get3A_32 = arith.constant 0 : index
    %get3A_33 = tpu.vector_load %arg11[%get3A_32] {strides = array<i32>} : memref<16xf32, #tpu.memory_space<vmem>>, vector<16xf32>,
    %slice3A = vector.extract_strided_slice %get3A_33 {offsets = [0], sizes = [1], strides = [1]} : vector<16xf32> to vector<1xf32>
    %squeeze3A = vector.extract %slice3A[0] : f32 from vector<1xf32>
    %slice3A_34 = vector.extract_strided_slice %get3A_33 {offsets = [1], sizes = [1], strides = [1]} : vector<16xf32> to vector<1xf32>
    %squeeze3A_35 = vector.extract %slice3A_34[0] : f32 from vector<1xf32>
    %slice3A_36 = vector.extract_strided_slice %get3A_33 {offsets = [2], sizes = [1], strides = [1]} : vector<16xf32> to vector<1xf32>
    %squeeze3A_37 = vector.extract %slice3A_36[0] : f32 from vector<1xf32>
    %slice3A_38 = vector.extract_strided_slice %get3A_33 {offsets = [3], sizes = [1], strides = [1]} : vector<16xf32> to vector<1xf32>
    %squeeze3A_39 = vector.extract %slice3A_38[0] : f32 from vector<1xf32>
    %slice3A_40 = vector.extract_strided_slice %get3A_33 {offsets = [4], sizes = [1], strides = [1]} : vector<16xf32> to vector<1xf32>
    %squeeze3A_41 = vector.extract %slice3A_40[0] : f32 from vector<1xf32>
    %iota3A = tpu.iota {dimensions = array<i32: 0>} : vector<16xi32>
    %broadcast_in_dim3A = arith.constant 0.000000e+00 : f32
    %broadcast_in_dim3A_42 = vector.broadcast %broadcast_in_dim3A : f32 to vector<16xf32>
    %scan3A = arith.constant 0 : i32
    %scan3A_43 = arith.constant 8 : i32
    %scan3A_44 = arith.addi %scan3A, %scan3A_43 : i32
    %scan3A_45 = arith.constant 1 : i32
    %scan3A_46 = scf.for %scan3A_50 = %scan3A to %scan3A_44 step %scan3A_45 iter_args(%scan3A_51 = %broadcast_in_dim3A_42) -> (vector<16xf32>)  : i32 {
      %mul3A_52 = arith.constant 2 : i32
      %mul3A_53 = arith.muli %add3A, %mul3A_52 : i32
      %mul3A_54 = arith.constant 512 : i32
      %mul3A_55 = arith.muli %mul3A_53, %mul3A_54 : i32
      %mul3A_56 = arith.constant 2 : i32
      %mul3A_57 = arith.muli %scan3A_50, %mul3A_56 : i32
      %mul3A_58 = arith.constant 64 : i32
      %mul3A_59 = arith.muli %mul3A_57, %mul3A_58 : i32
      %add3A_60 = arith.addi %mul3A_55, %mul3A_59 : i32
      "tpu.region"() ({
        %run_scoped3A = tpu.sem_alloc : memref<!tpu.dma_semaphore, #tpu.memory_space<semaphore_mem>>
        %dma_start3A_90 = arith.constant 0 : i32
        %dma_start3A_91 = tpu.memref_slice %arg2[%add3A_60, %dma_start3A_90] : memref<32768x100xi32, #tpu.memory_space<hbm>> -> memref<128x100xi32, #tpu.memory_space<hbm>>
        %dma_start3A_92 = arith.constant 0 : i32
        %dma_start3A_93 = tpu.memref_slice %arg2[%add3A_60, %dma_start3A_92] : memref<32768x100xi32, #tpu.memory_space<hbm>> -> memref<128x100xi32, #tpu.memory_space<hbm>>
        tpu.enqueue_dma source(%dma_start3A_93 : memref<128x100xi32, #tpu.memory_space<hbm>>) target(%arg7 : memref<128x100xi32, #tpu.memory_space<vmem>>) target_semaphore(%run_scoped3A : memref<!tpu.dma_semaphore, #tpu.memory_space<semaphore_mem>>)
        %dma_wait3A = arith.constant 0 : i32
        %dma_wait3A_94 = tpu.memref_slice %arg2[%add3A_60, %dma_wait3A] : memref<32768x100xi32, #tpu.memory_space<hbm>> -> memref<128x100xi32, #tpu.memory_space<hbm>>
        %dma_wait3A_95 = arith.constant 0 : i32
        %dma_wait3A_96 = tpu.memref_slice %arg2[%add3A_60, %dma_wait3A_95] : memref<32768x100xi32, #tpu.memory_space<hbm>> -> memref<128x100xi32, #tpu.memory_space<hbm>>
        tpu.wait_dma2 semaphore(%run_scoped3A : memref<!tpu.dma_semaphore, #tpu.memory_space<semaphore_mem>>) src(%dma_wait3A_96 : memref<128x100xi32, #tpu.memory_space<hbm>>) dst(%arg7 : memref<128x100xi32, #tpu.memory_space<vmem>>)
        tpu.yield
      }) : () -> ()
      %dma_start3A = arith.constant 0 : i32
      %dma_start3A_61 = arith.constant 0 : i32
      %dma_start3A_62 = arith.constant 0 : i32
      %dma_start3A_63 = arith.constant 0 : i32
      %dma_start3A_64 = tpu.memref_slice %arg8[%dma_start3A_61, %dma_start3A_62, %dma_start3A_63] : memref<2x100x64xf32, #tpu.memory_space<vmem>> -> memref<1x100x64xf32, #tpu.memory_space<vmem>>
      %dma_start3A_65 = tpu.memref_squeeze %dma_start3A_64 : memref<1x100x64xf32, #tpu.memory_space<vmem>> -> memref<100x64xf32, #tpu.memory_space<vmem>>
      %dma_start3A_66 = arith.constant 0 : i32
      %dma_start3A_67 = tpu.memref_slice %arg7[%dma_start3A, %dma_start3A_66] : memref<128x100xi32, #tpu.memory_space<vmem>> -> memref<1x100xi32, #tpu.memory_space<vmem>>
      %dma_start3A_68 = tpu.memref_squeeze %dma_start3A_67 : memref<1x100xi32, #tpu.memory_space<vmem>> -> memref<100xi32, #tpu.memory_space<vmem>>
      %dma_start3A_69 = arith.constant 0 : i32
      %dma_start3A_70 = arith.constant 0 : i32
      %dma_start3A_71 = tpu.memref_slice %arg3[%dma_start3A_69, %dma_start3A_70] : memref<20000x64xf32, #tpu.memory_space<hbm>> -> memref<20000x64xf32, #tpu.memory_space<hbm>>
      tpu.enqueue_indirect_dma source(%dma_start3A_71 : memref<20000x64xf32, #tpu.memory_space<hbm>>) target(%dma_start3A_65 : memref<100x64xf32, #tpu.memory_space<vmem>>) offsets(%dma_start3A_68 : memref<100xi32, #tpu.memory_space<vmem>>) semaphore(%arg12 : memref<!tpu.dma_semaphore, #tpu.memory_space<semaphore_mem>>)
      %dma_start3A_72 = arith.constant 1 : i32
      %dma_start3A_73 = arith.constant 1 : i32
      %dma_start3A_74 = arith.constant 0 : i32
      %dma_start3A_75 = arith.constant 0 : i32
      %dma_start3A_76 = tpu.memref_slice %arg8[%dma_start3A_73, %dma_start3A_74, %dma_start3A_75] : memref<2x100x64xf32, #tpu.memory_space<vmem>> -> memref<1x100x64xf32, #tpu.memory_space<vmem>>
      %dma_start3A_77 = tpu.memref_squeeze %dma_start3A_76 : memref<1x100x64xf32, #tpu.memory_space<vmem>> -> memref<100x64xf32, #tpu.memory_space<vmem>>
      %dma_start3A_78 = arith.constant 0 : i32
      %dma_start3A_79 = tpu.memref_slice %arg7[%dma_start3A_72, %dma_start3A_78] : memref<128x100xi32, #tpu.memory_space<vmem>> -> memref<1x100xi32, #tpu.memory_space<vmem>>
      %dma_start3A_80 = tpu.memref_squeeze %dma_start3A_79 : memref<1x100xi32, #tpu.memory_space<vmem>> -> memref<100xi32, #tpu.memory_space<vmem>>
      %dma_start3A_81 = arith.constant 0 : i32
      %dma_start3A_82 = arith.constant 0 : i32
      %dma_start3A_83 = tpu.memref_slice %arg3[%dma_start3A_81, %dma_start3A_82] : memref<20000x64xf32, #tpu.memory_space<hbm>> -> memref<20000x64xf32, #tpu.memory_space<hbm>>
      tpu.enqueue_indirect_dma source(%dma_start3A_83 : memref<20000x64xf32, #tpu.memory_space<hbm>>) target(%dma_start3A_77 : memref<100x64xf32, #tpu.memory_space<vmem>>) offsets(%dma_start3A_80 : memref<100xi32, #tpu.memory_space<vmem>>) semaphore(%arg13 : memref<!tpu.dma_semaphore, #tpu.memory_space<semaphore_mem>>)
      %scan3A_84 = arith.constant 0 : i32
      %scan3A_85 = arith.constant 64 : i32
      %scan3A_86 = arith.addi %scan3A_84, %scan3A_85 : i32
      %scan3A_87 = arith.constant 1 : i32
      %scan3A_88:5 = scf.for %scan3A_90 = %scan3A_84 to %scan3A_86 step %scan3A_87 iter_args(%scan3A_91 = %scan3A_51, %scan3A_92 = %broadcast_in_dim3A_42, %scan3A_93 = %broadcast_in_dim3A_42, %scan3A_94 = %broadcast_in_dim3A_42, %scan3A_95 = %broadcast_in_dim3A_42) -> (vector<16xf32>, vector<16xf32>, vector<16xf32>, vector<16xf32>, vector<16xf32>)  : i32 {
        %mul3A_96 = arith.constant 2 : i32
        %mul3A_97 = arith.muli %mul3A_96, %scan3A_90 : i32
        %add3A_98 = arith.constant 0 : i32
        %add3A_99 = arith.addi %mul3A_97, %add3A_98 : i32
        %dma_wait3A = arith.constant 0 : i32
        %dma_wait3A_100 = arith.constant 0 : i32
        %dma_wait3A_101 = arith.constant 0 : i32
        %dma_wait3A_102 = tpu.memref_slice %arg8[%dma_wait3A, %dma_wait3A_100, %dma_wait3A_101] : memref<2x100x64xf32, #tpu.memory_space<vmem>> -> memref<1x100x64xf32, #tpu.memory_space<vmem>>
        %dma_wait3A_103 = tpu.memref_squeeze %dma_wait3A_102 : memref<1x100x64xf32, #tpu.memory_space<vmem>> -> memref<100x64xf32, #tpu.memory_space<vmem>>
        %dma_wait3A_104 = arith.constant 0 : i32
        %dma_wait3A_105 = tpu.memref_slice %arg7[%add3A_99, %dma_wait3A_104] : memref<128x100xi32, #tpu.memory_space<vmem>> -> memref<1x100xi32, #tpu.memory_space<vmem>>
        %dma_wait3A_106 = tpu.memref_squeeze %dma_wait3A_105 : memref<1x100xi32, #tpu.memory_space<vmem>> -> memref<100xi32, #tpu.memory_space<vmem>>
        %dma_wait3A_107 = arith.constant 0 : i32
        %dma_wait3A_108 = arith.constant 0 : i32
        %dma_wait3A_109 = tpu.memref_slice %arg3[%dma_wait3A_107, %dma_wait3A_108] : memref<20000x64xf32, #tpu.memory_space<hbm>> -> memref<20000x64xf32, #tpu.memory_space<hbm>>
        tpu.wait_indirect_dma semaphore(%arg12 : memref<!tpu.dma_semaphore, #tpu.memory_space<semaphore_mem>>) src(%dma_wait3A_109 : memref<20000x64xf32, #tpu.memory_space<hbm>>) dst(%dma_wait3A_103 : memref<100x64xf32, #tpu.memory_space<vmem>>)
        %scan3A_110 = arith.constant 0 : i32
        %scan3A_111 = arith.constant 25 : i32
        %scan3A_112 = arith.addi %scan3A_110, %scan3A_111 : i32
        %scan3A_113 = arith.constant 1 : i32
        %scan3A_114:4 = scf.for %scan3A_210 = %scan3A_110 to %scan3A_112 step %scan3A_113 iter_args(%scan3A_211 = %scan3A_92, %scan3A_212 = %scan3A_93, %scan3A_213 = %scan3A_94, %scan3A_214 = %scan3A_95) -> (vector<16xf32>, vector<16xf32>, vector<16xf32>, vector<16xf32>)  : i32 {
          %mul3A_215 = arith.constant 4 : i32
          %mul3A_216 = arith.muli %scan3A_210, %mul3A_215 : i32
          %add3A_217 = arith.constant 0 : i32
          %add3A_218 = arith.addi %mul3A_216, %add3A_217 : i32
          %get3A_219 = arith.constant 0 : i32
          %get3A_220 = arith.index_cast %get3A_219 : i32 to index
          %get3A_221 = arith.index_cast %add3A_218 : i32 to index
          %get3A_222 = arith.constant 0 : index
          %get3A_223 = tpu.vector_load %arg8[%get3A_220, %get3A_221, %get3A_222] {strides = array<i32>} : memref<2x100x64xf32, #tpu.memory_space<vmem>>, vector<16xf32>,
          %add3A_224 = arith.addf %scan3A_211, %get3A_223 : vector<16xf32>
          %get3A_225 = arith.constant 0 : i32
          %get3A_226 = arith.index_cast %get3A_225 : i32 to index
          %get3A_227 = arith.index_cast %add3A_218 : i32 to index
          %get3A_228 = arith.constant 16 : index
          %get3A_229 = tpu.vector_load %arg8[%get3A_226, %get3A_227, %get3A_228] {strides = array<i32>} : memref<2x100x64xf32, #tpu.memory_space<vmem>>, vector<16xf32>,
          %add3A_230 = arith.addf %scan3A_212, %get3A_229 : vector<16xf32>
          %get3A_231 = arith.constant 0 : i32
          %get3A_232 = arith.index_cast %get3A_231 : i32 to index
          %get3A_233 = arith.index_cast %add3A_218 : i32 to index
          %get3A_234 = arith.constant 32 : index
          %get3A_235 = tpu.vector_load %arg8[%get3A_232, %get3A_233, %get3A_234] {strides = array<i32>} : memref<2x100x64xf32, #tpu.memory_space<vmem>>, vector<16xf32>,
          %add3A_236 = arith.addf %scan3A_213, %get3A_235 : vector<16xf32>
          %get3A_237 = arith.constant 0 : i32
          %get3A_238 = arith.index_cast %get3A_237 : i32 to index
          %get3A_239 = arith.index_cast %add3A_218 : i32 to index
          %get3A_240 = arith.constant 48 : index
          %get3A_241 = tpu.vector_load %arg8[%get3A_238, %get3A_239, %get3A_240] {strides = array<i32>} : memref<2x100x64xf32, #tpu.memory_space<vmem>>, vector<16xf32>,
          %add3A_242 = arith.addf %scan3A_214, %get3A_241 : vector<16xf32>
          %mul3A_243 = arith.constant 4 : i32
          %mul3A_244 = arith.muli %scan3A_210, %mul3A_243 : i32
          %add3A_245 = arith.constant 1 : i32
          %add3A_246 = arith.addi %mul3A_244, %add3A_245 : i32
          %get3A_247 = arith.constant 0 : i32
          %get3A_248 = arith.index_cast %get3A_247 : i32 to index
          %get3A_249 = arith.index_cast %add3A_246 : i32 to index
          %get3A_250 = arith.constant 0 : index
          %get3A_251 = tpu.vector_load %arg8[%get3A_248, %get3A_249, %get3A_250] {strides = array<i32>} : memref<2x100x64xf32, #tpu.memory_space<vmem>>, vector<16xf32>,
          %add3A_252 = arith.addf %add3A_224, %get3A_251 : vector<16xf32>
          %get3A_253 = arith.constant 0 : i32
          %get3A_254 = arith.index_cast %get3A_253 : i32 to index
          %get3A_255 = arith.index_cast %add3A_246 : i32 to index
          %get3A_256 = arith.constant 16 : index
          %get3A_257 = tpu.vector_load %arg8[%get3A_254, %get3A_255, %get3A_256] {strides = array<i32>} : memref<2x100x64xf32, #tpu.memory_space<vmem>>, vector<16xf32>,
          %add3A_258 = arith.addf %add3A_230, %get3A_257 : vector<16xf32>
          %get3A_259 = arith.constant 0 : i32
          %get3A_260 = arith.index_cast %get3A_259 : i32 to index
          %get3A_261 = arith.index_cast %add3A_246 : i32 to index
          %get3A_262 = arith.constant 32 : index
          %get3A_263 = tpu.vector_load %arg8[%get3A_260, %get3A_261, %get3A_262] {strides = array<i32>} : memref<2x100x64xf32, #tpu.memory_space<vmem>>, vector<16xf32>,
          %add3A_264 = arith.addf %add3A_236, %get3A_263 : vector<16xf32>
          %get3A_265 = arith.constant 0 : i32
          %get3A_266 = arith.index_cast %get3A_265 : i32 to index
          %get3A_267 = arith.index_cast %add3A_246 : i32 to index
          %get3A_268 = arith.constant 48 : index
          %get3A_269 = tpu.vector_load %arg8[%get3A_266, %get3A_267, %get3A_268] {strides = array<i32>} : memref<2x100x64xf32, #tpu.memory_space<vmem>>, vector<16xf32>,
          %add3A_270 = arith.addf %add3A_242, %get3A_269 : vector<16xf32>
          %mul3A_271 = arith.constant 4 : i32
          %mul3A_272 = arith.muli %scan3A_210, %mul3A_271 : i32
          %add3A_273 = arith.constant 2 : i32
          %add3A_274 = arith.addi %mul3A_272, %add3A_273 : i32
          %get3A_275 = arith.constant 0 : i32
          %get3A_276 = arith.index_cast %get3A_275 : i32 to index
          %get3A_277 = arith.index_cast %add3A_274 : i32 to index
          %get3A_278 = arith.constant 0 : index
          %get3A_279 = tpu.vector_load %arg8[%get3A_276, %get3A_277, %get3A_278] {strides = array<i32>} : memref<2x100x64xf32, #tpu.memory_space<vmem>>, vector<16xf32>,
          %add3A_280 = arith.addf %add3A_252, %get3A_279 : vector<16xf32>
          %get3A_281 = arith.constant 0 : i32
          %get3A_282 = arith.index_cast %get3A_281 : i32 to index
          %get3A_283 = arith.index_cast %add3A_274 : i32 to index
          %get3A_284 = arith.constant 16 : index
          %get3A_285 = tpu.vector_load %arg8[%get3A_282, %get3A_283, %get3A_284] {strides = array<i32>} : memref<2x100x64xf32, #tpu.memory_space<vmem>>, vector<16xf32>,
          %add3A_286 = arith.addf %add3A_258, %get3A_285 : vector<16xf32>
          %get3A_287 = arith.constant 0 : i32
          %get3A_288 = arith.index_cast %get3A_287 : i32 to index
          %get3A_289 = arith.index_cast %add3A_274 : i32 to index
          %get3A_290 = arith.constant 32 : index
          %get3A_291 = tpu.vector_load %arg8[%get3A_288, %get3A_289, %get3A_290] {strides = array<i32>} : memref<2x100x64xf32, #tpu.memory_space<vmem>>, vector<16xf32>,
          %add3A_292 = arith.addf %add3A_264, %get3A_291 : vector<16xf32>
          %get3A_293 = arith.constant 0 : i32
          %get3A_294 = arith.index_cast %get3A_293 : i32 to index
          %get3A_295 = arith.index_cast %add3A_274 : i32 to index
          %get3A_296 = arith.constant 48 : index
          %get3A_297 = tpu.vector_load %arg8[%get3A_294, %get3A_295, %get3A_296] {strides = array<i32>} : memref<2x100x64xf32, #tpu.memory_space<vmem>>, vector<16xf32>,
          %add3A_298 = arith.addf %add3A_270, %get3A_297 : vector<16xf32>
          %mul3A_299 = arith.constant 4 : i32
          %mul3A_300 = arith.muli %scan3A_210, %mul3A_299 : i32
          %add3A_301 = arith.constant 3 : i32
          %add3A_302 = arith.addi %mul3A_300, %add3A_301 : i32
          %get3A_303 = arith.constant 0 : i32
          %get3A_304 = arith.index_cast %get3A_303 : i32 to index
          %get3A_305 = arith.index_cast %add3A_302 : i32 to index
          %get3A_306 = arith.constant 0 : index
          %get3A_307 = tpu.vector_load %arg8[%get3A_304, %get3A_305, %get3A_306] {strides = array<i32>} : memref<2x100x64xf32, #tpu.memory_space<vmem>>, vector<16xf32>,
          %add3A_308 = arith.addf %add3A_280, %get3A_307 : vector<16xf32>
          %get3A_309 = arith.constant 0 : i32
          %get3A_310 = arith.index_cast %get3A_309 : i32 to index
          %get3A_311 = arith.index_cast %add3A_302 : i32 to index
          %get3A_312 = arith.constant 16 : index
          %get3A_313 = tpu.vector_load %arg8[%get3A_310, %get3A_311, %get3A_312] {strides = array<i32>} : memref<2x100x64xf32, #tpu.memory_space<vmem>>, vector<16xf32>,
          %add3A_314 = arith.addf %add3A_286, %get3A_313 : vector<16xf32>
          %get3A_315 = arith.constant 0 : i32
          %get3A_316 = arith.index_cast %get3A_315 : i32 to index
          %get3A_317 = arith.index_cast %add3A_302 : i32 to index
          %get3A_318 = arith.constant 32 : index
          %get3A_319 = tpu.vector_load %arg8[%get3A_316, %get3A_317, %get3A_318] {strides = array<i32>} : memref<2x100x64xf32, #tpu.memory_space<vmem>>, vector<16xf32>,
          %add3A_320 = arith.addf %add3A_292, %get3A_319 : vector<16xf32>
          %get3A_321 = arith.constant 0 : i32
          %get3A_322 = arith.index_cast %get3A_321 : i32 to index
          %get3A_323 = arith.index_cast %add3A_302 : i32 to index
          %get3A_324 = arith.constant 48 : index
          %get3A_325 = tpu.vector_load %arg8[%get3A_322, %get3A_323, %get3A_324] {strides = array<i32>} : memref<2x100x64xf32, #tpu.memory_space<vmem>>, vector<16xf32>,
          %add3A_326 = arith.addf %add3A_298, %get3A_325 : vector<16xf32>
          scf.yield %add3A_308, %add3A_314, %add3A_320, %add3A_326 : vector<16xf32>, vector<16xf32>, vector<16xf32>, vector<16xf32>
        }
        %scan3A_115 = arith.constant 25 : i32
        %add3A_116 = arith.constant 2 : i32
        %add3A_117 = arith.addi %add3A_99, %add3A_116 : i32
        %lt3A = arith.constant 128 : i32
        %lt3A_118 = arith.cmpi slt, %add3A_117, %lt3A : i32
        %convert_element_type3A = arith.extui %lt3A_118 : i1 to i32
        %cond3A = arith.constant 0 : i32
        %cond3A_119 = arith.cmpi ne, %convert_element_type3A, %cond3A : i32
        scf.if %cond3A_119 {
          %add3A_210 = arith.constant 2 : i32
          %add3A_211 = arith.addi %add3A_99, %add3A_210 : i32
          %dma_start3A_212 = arith.constant 0 : i32
          %dma_start3A_213 = arith.constant 0 : i32
          %dma_start3A_214 = arith.constant 0 : i32
          %dma_start3A_215 = tpu.memref_slice %arg8[%dma_start3A_212, %dma_start3A_213, %dma_start3A_214] : memref<2x100x64xf32, #tpu.memory_space<vmem>> -> memref<1x100x64xf32, #tpu.memory_space<vmem>>
          %dma_start3A_216 = tpu.memref_squeeze %dma_start3A_215 : memref<1x100x64xf32, #tpu.memory_space<vmem>> -> memref<100x64xf32, #tpu.memory_space<vmem>>
          %dma_start3A_217 = arith.constant 0 : i32
          %dma_start3A_218 = tpu.memref_slice %arg7[%add3A_211, %dma_start3A_217] : memref<128x100xi32, #tpu.memory_space<vmem>> -> memref<1x100xi32, #tpu.memory_space<vmem>>
          %dma_start3A_219 = tpu.memref_squeeze %dma_start3A_218 : memref<1x100xi32, #tpu.memory_space<vmem>> -> memref<100xi32, #tpu.memory_space<vmem>>
          %dma_start3A_220 = arith.constant 0 : i32
          %dma_start3A_221 = arith.constant 0 : i32
          %dma_start3A_222 = tpu.memref_slice %arg3[%dma_start3A_220, %dma_start3A_221] : memref<20000x64xf32, #tpu.memory_space<hbm>> -> memref<20000x64xf32, #tpu.memory_space<hbm>>
          tpu.enqueue_indirect_dma source(%dma_start3A_222 : memref<20000x64xf32, #tpu.memory_space<hbm>>) target(%dma_start3A_216 : memref<100x64xf32, #tpu.memory_space<vmem>>) offsets(%dma_start3A_219 : memref<100xi32, #tpu.memory_space<vmem>>) semaphore(%arg12 : memref<!tpu.dma_semaphore, #tpu.memory_space<semaphore_mem>>)
        } else {
        }
        %mul3A_120 = arith.constant 2 : i32
        %mul3A_121 = arith.muli %mul3A_120, %scan3A_90 : i32
        %add3A_122 = arith.constant 1 : i32
        %add3A_123 = arith.addi %mul3A_121, %add3A_122 : i32
        %dma_wait3A_124 = arith.constant 1 : i32
        %dma_wait3A_125 = arith.constant 0 : i32
        %dma_wait3A_126 = arith.constant 0 : i32
        %dma_wait3A_127 = tpu.memref_slice %arg8[%dma_wait3A_124, %dma_wait3A_125, %dma_wait3A_126] : memref<2x100x64xf32, #tpu.memory_space<vmem>> -> memref<1x100x64xf32, #tpu.memory_space<vmem>>
        %dma_wait3A_128 = tpu.memref_squeeze %dma_wait3A_127 : memref<1x100x64xf32, #tpu.memory_space<vmem>> -> memref<100x64xf32, #tpu.memory_space<vmem>>
        %dma_wait3A_129 = arith.constant 0 : i32
        %dma_wait3A_130 = tpu.memref_slice %arg7[%add3A_123, %dma_wait3A_129] : memref<128x100xi32, #tpu.memory_space<vmem>> -> memref<1x100xi32, #tpu.memory_space<vmem>>
        %dma_wait3A_131 = tpu.memref_squeeze %dma_wait3A_130 : memref<1x100xi32, #tpu.memory_space<vmem>> -> memref<100xi32, #tpu.memory_space<vmem>>
        %dma_wait3A_132 = arith.constant 0 : i32
        %dma_wait3A_133 = arith.constant 0 : i32
        %dma_wait3A_134 = tpu.memref_slice %arg3[%dma_wait3A_132, %dma_wait3A_133] : memref<20000x64xf32, #tpu.memory_space<hbm>> -> memref<20000x64xf32, #tpu.memory_space<hbm>>
        tpu.wait_indirect_dma semaphore(%arg13 : memref<!tpu.dma_semaphore, #tpu.memory_space<semaphore_mem>>) src(%dma_wait3A_134 : memref<20000x64xf32, #tpu.memory_space<hbm>>) dst(%dma_wait3A_128 : memref<100x64xf32, #tpu.memory_space<vmem>>)
        %scan3A_135 = arith.constant 0 : i32
        %scan3A_136 = arith.constant 25 : i32
        %scan3A_137 = arith.addi %scan3A_135, %scan3A_136 : i32
        %scan3A_138 = arith.constant 1 : i32
        %scan3A_139:4 = scf.for %scan3A_210 = %scan3A_135 to %scan3A_137 step %scan3A_138 iter_args(%scan3A_211 = %scan3A_114#0, %scan3A_212 = %scan3A_114#1, %scan3A_213 = %scan3A_114#2, %scan3A_214 = %scan3A_114#3) -> (vector<16xf32>, vector<16xf32>, vector<16xf32>, vector<16xf32>)  : i32 {
          %mul3A_215 = arith.constant 4 : i32
          %mul3A_216 = arith.muli %scan3A_210, %mul3A_215 : i32
          %add3A_217 = arith.constant 0 : i32
          %add3A_218 = arith.addi %mul3A_216, %add3A_217 : i32
          %get3A_219 = arith.constant 1 : i32
          %get3A_220 = arith.index_cast %get3A_219 : i32 to index
          %get3A_221 = arith.index_cast %add3A_218 : i32 to index
          %get3A_222 = arith.constant 0 : index
          %get3A_223 = tpu.vector_load %arg8[%get3A_220, %get3A_221, %get3A_222] {strides = array<i32>} : memref<2x100x64xf32, #tpu.memory_space<vmem>>, vector<16xf32>,
          %add3A_224 = arith.addf %scan3A_211, %get3A_223 : vector<16xf32>
          %get3A_225 = arith.constant 1 : i32
          %get3A_226 = arith.index_cast %get3A_225 : i32 to index
          %get3A_227 = arith.index_cast %add3A_218 : i32 to index
          %get3A_228 = arith.constant 16 : index
          %get3A_229 = tpu.vector_load %arg8[%get3A_226, %get3A_227, %get3A_228] {strides = array<i32>} : memref<2x100x64xf32, #tpu.memory_space<vmem>>, vector<16xf32>,
          %add3A_230 = arith.addf %scan3A_212, %get3A_229 : vector<16xf32>
          %get3A_231 = arith.constant 1 : i32
          %get3A_232 = arith.index_cast %get3A_231 : i32 to index
          %get3A_233 = arith.index_cast %add3A_218 : i32 to index
          %get3A_234 = arith.constant 32 : index
          %get3A_235 = tpu.vector_load %arg8[%get3A_232, %get3A_233, %get3A_234] {strides = array<i32>} : memref<2x100x64xf32, #tpu.memory_space<vmem>>, vector<16xf32>,
          %add3A_236 = arith.addf %scan3A_213, %get3A_235 : vector<16xf32>
          %get3A_237 = arith.constant 1 : i32
          %get3A_238 = arith.index_cast %get3A_237 : i32 to index
          %get3A_239 = arith.index_cast %add3A_218 : i32 to index
          %get3A_240 = arith.constant 48 : index
          %get3A_241 = tpu.vector_load %arg8[%get3A_238, %get3A_239, %get3A_240] {strides = array<i32>} : memref<2x100x64xf32, #tpu.memory_space<vmem>>, vector<16xf32>,
          %add3A_242 = arith.addf %scan3A_214, %get3A_241 : vector<16xf32>
          %mul3A_243 = arith.constant 4 : i32
          %mul3A_244 = arith.muli %scan3A_210, %mul3A_243 : i32
          %add3A_245 = arith.constant 1 : i32
          %add3A_246 = arith.addi %mul3A_244, %add3A_245 : i32
          %get3A_247 = arith.constant 1 : i32
          %get3A_248 = arith.index_cast %get3A_247 : i32 to index
          %get3A_249 = arith.index_cast %add3A_246 : i32 to index
          %get3A_250 = arith.constant 0 : index
          %get3A_251 = tpu.vector_load %arg8[%get3A_248, %get3A_249, %get3A_250] {strides = array<i32>} : memref<2x100x64xf32, #tpu.memory_space<vmem>>, vector<16xf32>,
          %add3A_252 = arith.addf %add3A_224, %get3A_251 : vector<16xf32>
          %get3A_253 = arith.constant 1 : i32
          %get3A_254 = arith.index_cast %get3A_253 : i32 to index
          %get3A_255 = arith.index_cast %add3A_246 : i32 to index
          %get3A_256 = arith.constant 16 : index
          %get3A_257 = tpu.vector_load %arg8[%get3A_254, %get3A_255, %get3A_256] {strides = array<i32>} : memref<2x100x64xf32, #tpu.memory_space<vmem>>, vector<16xf32>,
          %add3A_258 = arith.addf %add3A_230, %get3A_257 : vector<16xf32>
          %get3A_259 = arith.constant 1 : i32
          %get3A_260 = arith.index_cast %get3A_259 : i32 to index
          %get3A_261 = arith.index_cast %add3A_246 : i32 to index
          %get3A_262 = arith.constant 32 : index
          %get3A_263 = tpu.vector_load %arg8[%get3A_260, %get3A_261, %get3A_262] {strides = array<i32>} : memref<2x100x64xf32, #tpu.memory_space<vmem>>, vector<16xf32>,
          %add3A_264 = arith.addf %add3A_236, %get3A_263 : vector<16xf32>
          %get3A_265 = arith.constant 1 : i32
          %get3A_266 = arith.index_cast %get3A_265 : i32 to index
          %get3A_267 = arith.index_cast %add3A_246 : i32 to index
          %get3A_268 = arith.constant 48 : index
          %get3A_269 = tpu.vector_load %arg8[%get3A_266, %get3A_267, %get3A_268] {strides = array<i32>} : memref<2x100x64xf32, #tpu.memory_space<vmem>>, vector<16xf32>,
          %add3A_270 = arith.addf %add3A_242, %get3A_269 : vector<16xf32>
          %mul3A_271 = arith.constant 4 : i32
          %mul3A_272 = arith.muli %scan3A_210, %mul3A_271 : i32
          %add3A_273 = arith.constant 2 : i32
          %add3A_274 = arith.addi %mul3A_272, %add3A_273 : i32
          %get3A_275 = arith.constant 1 : i32
          %get3A_276 = arith.index_cast %get3A_275 : i32 to index
          %get3A_277 = arith.index_cast %add3A_274 : i32 to index
          %get3A_278 = arith.constant 0 : index
          %get3A_279 = tpu.vector_load %arg8[%get3A_276, %get3A_277, %get3A_278] {strides = array<i32>} : memref<2x100x64xf32, #tpu.memory_space<vmem>>, vector<16xf32>,
          %add3A_280 = arith.addf %add3A_252, %get3A_279 : vector<16xf32>
          %get3A_281 = arith.constant 1 : i32
          %get3A_282 = arith.index_cast %get3A_281 : i32 to index
          %get3A_283 = arith.index_cast %add3A_274 : i32 to index
          %get3A_284 = arith.constant 16 : index
          %get3A_285 = tpu.vector_load %arg8[%get3A_282, %get3A_283, %get3A_284] {strides = array<i32>} : memref<2x100x64xf32, #tpu.memory_space<vmem>>, vector<16xf32>,
          %add3A_286 = arith.addf %add3A_258, %get3A_285 : vector<16xf32>
          %get3A_287 = arith.constant 1 : i32
          %get3A_288 = arith.index_cast %get3A_287 : i32 to index
          %get3A_289 = arith.index_cast %add3A_274 : i32 to index
          %get3A_290 = arith.constant 32 : index
          %get3A_291 = tpu.vector_load %arg8[%get3A_288, %get3A_289, %get3A_290] {strides = array<i32>} : memref<2x100x64xf32, #tpu.memory_space<vmem>>, vector<16xf32>,
          %add3A_292 = arith.addf %add3A_264, %get3A_291 : vector<16xf32>
          %get3A_293 = arith.constant 1 : i32
          %get3A_294 = arith.index_cast %get3A_293 : i32 to index
          %get3A_295 = arith.index_cast %add3A_274 : i32 to index
          %get3A_296 = arith.constant 48 : index
          %get3A_297 = tpu.vector_load %arg8[%get3A_294, %get3A_295, %get3A_296] {strides = array<i32>} : memref<2x100x64xf32, #tpu.memory_space<vmem>>, vector<16xf32>,
          %add3A_298 = arith.addf %add3A_270, %get3A_297 : vector<16xf32>
          %mul3A_299 = arith.constant 4 : i32
          %mul3A_300 = arith.muli %scan3A_210, %mul3A_299 : i32
          %add3A_301 = arith.constant 3 : i32
          %add3A_302 = arith.addi %mul3A_300, %add3A_301 : i32
          %get3A_303 = arith.constant 1 : i32
          %get3A_304 = arith.index_cast %get3A_303 : i32 to index
          %get3A_305 = arith.index_cast %add3A_302 : i32 to index
          %get3A_306 = arith.constant 0 : index
          %get3A_307 = tpu.vector_load %arg8[%get3A_304, %get3A_305, %get3A_306] {strides = array<i32>} : memref<2x100x64xf32, #tpu.memory_space<vmem>>, vector<16xf32>,
          %add3A_308 = arith.addf %add3A_280, %get3A_307 : vector<16xf32>
          %get3A_309 = arith.constant 1 : i32
          %get3A_310 = arith.index_cast %get3A_309 : i32 to index
          %get3A_311 = arith.index_cast %add3A_302 : i32 to index
          %get3A_312 = arith.constant 16 : index
          %get3A_313 = tpu.vector_load %arg8[%get3A_310, %get3A_311, %get3A_312] {strides = array<i32>} : memref<2x100x64xf32, #tpu.memory_space<vmem>>, vector<16xf32>,
          %add3A_314 = arith.addf %add3A_286, %get3A_313 : vector<16xf32>
          %get3A_315 = arith.constant 1 : i32
          %get3A_316 = arith.index_cast %get3A_315 : i32 to index
          %get3A_317 = arith.index_cast %add3A_302 : i32 to index
          %get3A_318 = arith.constant 32 : index
          %get3A_319 = tpu.vector_load %arg8[%get3A_316, %get3A_317, %get3A_318] {strides = array<i32>} : memref<2x100x64xf32, #tpu.memory_space<vmem>>, vector<16xf32>,
          %add3A_320 = arith.addf %add3A_292, %get3A_319 : vector<16xf32>
          %get3A_321 = arith.constant 1 : i32
          %get3A_322 = arith.index_cast %get3A_321 : i32 to index
          %get3A_323 = arith.index_cast %add3A_302 : i32 to index
          %get3A_324 = arith.constant 48 : index
          %get3A_325 = tpu.vector_load %arg8[%get3A_322, %get3A_323, %get3A_324] {strides = array<i32>} : memref<2x100x64xf32, #tpu.memory_space<vmem>>, vector<16xf32>,
          %add3A_326 = arith.addf %add3A_298, %get3A_325 : vector<16xf32>
          scf.yield %add3A_308, %add3A_314, %add3A_320, %add3A_326 : vector<16xf32>, vector<16xf32>, vector<16xf32>, vector<16xf32>
        }
        %scan3A_140 = arith.constant 25 : i32
        %add3A_141 = arith.constant 2 : i32
        %add3A_142 = arith.addi %add3A_123, %add3A_141 : i32
        %lt3A_143 = arith.constant 128 : i32
        %lt3A_144 = arith.cmpi slt, %add3A_142, %lt3A_143 : i32
        %convert_element_type3A_145 = arith.extui %lt3A_144 : i1 to i32
        %cond3A_146 = arith.constant 0 : i32
        %cond3A_147 = arith.cmpi ne, %convert_element_type3A_145, %cond3A_146 : i32
        scf.if %cond3A_147 {
          %add3A_210 = arith.constant 2 : i32
          %add3A_211 = arith.addi %add3A_123, %add3A_210 : i32
          %dma_start3A_212 = arith.constant 1 : i32
          %dma_start3A_213 = arith.constant 0 : i32
          %dma_start3A_214 = arith.constant 0 : i32
          %dma_start3A_215 = tpu.memref_slice %arg8[%dma_start3A_212, %dma_start3A_213, %dma_start3A_214] : memref<2x100x64xf32, #tpu.memory_space<vmem>> -> memref<1x100x64xf32, #tpu.memory_space<vmem>>
          %dma_start3A_216 = tpu.memref_squeeze %dma_start3A_215 : memref<1x100x64xf32, #tpu.memory_space<vmem>> -> memref<100x64xf32, #tpu.memory_space<vmem>>
          %dma_start3A_217 = arith.constant 0 : i32
          %dma_start3A_218 = tpu.memref_slice %arg7[%add3A_211, %dma_start3A_217] : memref<128x100xi32, #tpu.memory_space<vmem>> -> memref<1x100xi32, #tpu.memory_space<vmem>>
          %dma_start3A_219 = tpu.memref_squeeze %dma_start3A_218 : memref<1x100xi32, #tpu.memory_space<vmem>> -> memref<100xi32, #tpu.memory_space<vmem>>
          %dma_start3A_220 = arith.constant 0 : i32
          %dma_start3A_221 = arith.constant 0 : i32
          %dma_start3A_222 = tpu.memref_slice %arg3[%dma_start3A_220, %dma_start3A_221] : memref<20000x64xf32, #tpu.memory_space<hbm>> -> memref<20000x64xf32, #tpu.memory_space<hbm>>
          tpu.enqueue_indirect_dma source(%dma_start3A_222 : memref<20000x64xf32, #tpu.memory_space<hbm>>) target(%dma_start3A_216 : memref<100x64xf32, #tpu.memory_space<vmem>>) offsets(%dma_start3A_219 : memref<100xi32, #tpu.memory_space<vmem>>) semaphore(%arg13 : memref<!tpu.dma_semaphore, #tpu.memory_space<semaphore_mem>>)
        } else {
        }
        %mul3A_148 = arith.constant 64 : i32
        %mul3A_149 = arith.muli %scan3A_50, %mul3A_148 : i32
        %add3A_150 = arith.addi %mul3A_149, %scan3A_90 : i32
        %max3A = arith.constant 0.000000e+00 : f32
        %max3A_151 = vector.broadcast %max3A : f32 to vector<16xf32>
        %max3A_152 = arith.maximumf %scan3A_139#0, %max3A_151 : vector<16xf32>
        %max3A_153 = arith.constant 0.000000e+00 : f32
        %max3A_154 = vector.broadcast %max3A_153 : f32 to vector<16xf32>
        %max3A_155 = arith.maximumf %scan3A_139#1, %max3A_154 : vector<16xf32>
        %max3A_156 = arith.constant 0.000000e+00 : f32
        %max3A_157 = vector.broadcast %max3A_156 : f32 to vector<16xf32>
        %max3A_158 = arith.maximumf %scan3A_139#2, %max3A_157 : vector<16xf32>
        %max3A_159 = arith.constant 0.000000e+00 : f32
        %max3A_160 = vector.broadcast %max3A_159 : f32 to vector<16xf32>
        %max3A_161 = arith.maximumf %scan3A_139#3, %max3A_160 : vector<16xf32>
        %mul3A_162 = arith.mulf %max3A_152, %get3A_3 : vector<16xf32>
        %mul3A_163 = arith.mulf %max3A_155, %get3A_7 : vector<16xf32>
        %add3A_164 = arith.addf %mul3A_162, %mul3A_163 : vector<16xf32>
        %mul3A_165 = arith.mulf %max3A_158, %get3A_11 : vector<16xf32>
        %add3A_166 = arith.addf %add3A_164, %mul3A_165 : vector<16xf32>
        %mul3A_167 = arith.mulf %max3A_161, %get3A_15 : vector<16xf32>
        %add3A_168 = arith.addf %add3A_166, %mul3A_167 : vector<16xf32>
        %mul3A_169 = arith.mulf %max3A_152, %get3A_19 : vector<16xf32>
        %mul3A_170 = arith.mulf %max3A_155, %get3A_23 : vector<16xf32>
        %add3A_171 = arith.addf %mul3A_169, %mul3A_170 : vector<16xf32>
        %mul3A_172 = arith.mulf %max3A_158, %get3A_27 : vector<16xf32>
        %add3A_173 = arith.addf %add3A_171, %mul3A_172 : vector<16xf32>
        %mul3A_174 = arith.mulf %max3A_161, %get3A_31 : vector<16xf32>
        %add3A_175 = arith.addf %add3A_173, %mul3A_174 : vector<16xf32>
        %reduce_sum3A = arith.constant true
        %reduce_sum3A_176 = vector.broadcast %reduce_sum3A : i1 to vector<16xi1>
        %reduce_sum3A_177 = tpu.scan <sum>, %add3A_168 masked %reduce_sum3A_176 : vector<16xf32>, vector<16xi1> -> vector<16xf32>
        %reduce_sum3A_178 = vector.extract %reduce_sum3A_177[15] : f32 from vector<16xf32>
        %add3A_179 = arith.addf %reduce_sum3A_178, %squeeze3A : f32
        %reduce_sum3A_180 = arith.constant true
        %reduce_sum3A_181 = vector.broadcast %reduce_sum3A_180 : i1 to vector<16xi1>
        %reduce_sum3A_182 = tpu.scan <sum>, %add3A_175 masked %reduce_sum3A_181 : vector<16xf32>, vector<16xi1> -> vector<16xf32>
        %reduce_sum3A_183 = vector.extract %reduce_sum3A_182[15] : f32 from vector<16xf32>
        %add3A_184 = arith.addf %reduce_sum3A_183, %squeeze3A_35 : f32
        %max3A_185 = arith.constant 0.000000e+00 : f32
        %max3A_186 = arith.maximumf %add3A_179, %max3A_185 : f32
        %min3A = arith.constant 0.000000e+00 : f32
        %min3A_187 = arith.minimumf %add3A_179, %min3A : f32
        %mul3A_188 = arith.constant 0.00999999977 : f32
        %mul3A_189 = arith.mulf %mul3A_188, %min3A_187 : f32
        %add3A_190 = arith.addf %max3A_186, %mul3A_189 : f32
        %max3A_191 = arith.constant 0.000000e+00 : f32
        %max3A_192 = arith.maximumf %add3A_184, %max3A_191 : f32
        %min3A_193 = arith.constant 0.000000e+00 : f32
        %min3A_194 = arith.minimumf %add3A_184, %min3A_193 : f32
        %mul3A_195 = arith.constant 0.00999999977 : f32
        %mul3A_196 = arith.mulf %mul3A_195, %min3A_194 : f32
        %add3A_197 = arith.addf %max3A_192, %mul3A_196 : f32
        %mul3A_198 = arith.mulf %add3A_190, %squeeze3A_37 : f32
        %mul3A_199 = arith.mulf %add3A_197, %squeeze3A_39 : f32
        %add3A_200 = arith.addf %mul3A_198, %mul3A_199 : f32
        %add3A_201 = arith.addf %add3A_200, %squeeze3A_41 : f32
        %and3A = arith.constant 15 : i32
        %and3A_202 = arith.andi %add3A_150, %and3A : i32
        %eq3A = vector.broadcast %and3A_202 : i32 to vector<16xi32>
        %eq3A_203 = arith.cmpi eq, %iota3A, %eq3A : vector<16xi32>
        %broadcast_in_dim3A_204 = vector.broadcast %add3A_201 : f32 to vector<16xf32>
        %select_n3A = arith.select %eq3A_203, %broadcast_in_dim3A_204, %scan3A_91 : vector<16xi1>, vector<16xf32>
        %eq3A_205 = arith.constant 15 : i32
        %eq3A_206 = arith.cmpi eq, %and3A_202, %eq3A_205 : i32
        %convert_element_type3A_207 = arith.extui %eq3A_206 : i1 to i32
        %cond3A_208 = arith.constant 0 : i32
        %cond3A_209 = arith.cmpi ne, %convert_element_type3A_207, %cond3A_208 : i32
        scf.if %cond3A_209 {
          %sub3A = arith.constant 15 : i32
          %sub3A_210 = arith.subi %add3A_150, %sub3A : i32
          %swap3A = arith.index_cast %sub3A_210 : i32 to index
          %swap3A_211 = tpu.vector_load %arg9[%swap3A] {strides = array<i32>} : memref<512xf32, #tpu.memory_space<vmem>>, vector<16xf32>,
          tpu.vector_store %arg9[%swap3A], %select_n3A {strides = array<i32>} : memref<512xf32, #tpu.memory_space<vmem>>, vector<16xf32>,
        } else {
        }
        scf.yield %select_n3A, %broadcast_in_dim3A_42, %broadcast_in_dim3A_42, %broadcast_in_dim3A_42, %broadcast_in_dim3A_42 : vector<16xf32>, vector<16xf32>, vector<16xf32>, vector<16xf32>, vector<16xf32>
      }
      %scan3A_89 = arith.constant 64 : i32
      scf.yield %scan3A_88#0 : vector<16xf32>
    }
    %scan3A_47 = arith.constant 8 : i32
    %mul3A_48 = arith.constant 512 : i32
    %mul3A_49 = arith.muli %add3A, %mul3A_48 : i32
    "tpu.region"() ({
      %run_scoped3A = tpu.sem_alloc : memref<!tpu.dma_semaphore, #tpu.memory_space<semaphore_mem>>
      %dma_start3A = tpu.memref_slice %arg6[%mul3A_49] : memref<16384xf32, #tpu.memory_space<hbm>> -> memref<512xf32, #tpu.memory_space<hbm>>
      %dma_start3A_50 = tpu.memref_slice %arg6[%mul3A_49] : memref<16384xf32, #tpu.memory_space<hbm>> -> memref<512xf32, #tpu.memory_space<hbm>>
      tpu.enqueue_dma source(%arg9 : memref<512xf32, #tpu.memory_space<vmem>>) target(%dma_start3A_50 : memref<512xf32, #tpu.memory_space<hbm>>) target_semaphore(%run_scoped3A : memref<!tpu.dma_semaphore, #tpu.memory_space<semaphore_mem>>)
      %dma_wait3A = tpu.memref_slice %arg6[%mul3A_49] : memref<16384xf32, #tpu.memory_space<hbm>> -> memref<512xf32, #tpu.memory_space<hbm>>
      %dma_wait3A_51 = tpu.memref_slice %arg6[%mul3A_49] : memref<16384xf32, #tpu.memory_space<hbm>> -> memref<512xf32, #tpu.memory_space<hbm>>
      tpu.wait_dma2 semaphore(%run_scoped3A : memref<!tpu.dma_semaphore, #tpu.memory_space<semaphore_mem>>) src(%arg9 : memref<512xf32, #tpu.memory_space<vmem>>) dst(%dma_wait3A_51 : memref<512xf32, #tpu.memory_space<hbm>>)
      tpu.yield
    }) : () -> ()
    return
  }
}

</mosaic_0001>

<sc_bundles>
// kernel: kernel.3.cloned.1.call-start
scs
__scs_entry_jumppad:
0x0: {  	(pc) =	sbr.rel $0x88, $3  }
0x1: {  	(tag) =	ssettag $0x0;
	lr =	simm.s32 $0x1  }
0x2: {  	[smem:$0x3F9B] =	sst lr;
	_ =	strace $0xD0000000  }
0x3: {  	_ = 	snop  }
0x4: {  	_ = 	snop  }
0x5: {  	_ = 	snop  }
0x6: {  	_ = 	snop  }
0x7: {  	_ = 	snop  }
__scs_overlays_trampoline_lowered:
0x8: {  	[smem:$0x3FAA] =	sst s0  }
0x9: {  	[smem:$0x3FAB] =	sst s1  }
0xa: {  	[smem:$0x3FAC] =	sst s2  }
0xb: {  	[smem:$0x3FAD] =	sst s3  }
0xc: {  	[smem:$0x3FAE] =	sst s4  }
0xd: {  	[smem:$0x3FAF] =	sst s5  }
0xe: {  	[smem:$0x3FB0] =	sst s6  }
0xf: {  	[smem:$0x3FB1] =	sst s7  }
0x10: {  	[smem:$0x3FB2] =	sst s8  }
0x11: {  	[smem:$0x3FB3] =	sst s9;
	s0 =	simm.s32 @!p0 $0x0  }
0x12: {  	s1 =	sld [smem:$0x3F99];
	s0 =	simm.s32 @p0 $0x1  }
0x13: {  	[smem:$0x3FB4] =	sst s0;
	s0 =	simm.s32 @!p1 $0x0  }
0x14: {  	s2 =	sld [smem:$0x3F98];
	s0 =	simm.s32 @p1 $0x1  }
0x15: {  	[smem:$0x3FB5] =	sst s0;
	s0 =	simm.s32 @!p2 $0x0  }
0x16: {  	s3 =	sld [smem:$0x3FDB];
	s0 =	simm.s32 @p2 $0x1  }
0x17: {  	s4 =	simm.s32 $0x1BF5;
	[smem:$0x3FB7] =	sst s0  }
0x18: {  	s0 =	sld [smem:$0x3F9A];
	_ =	swait.ge [sflag:s4], $0x0  }
0x19: {  	s7 =	sld [smem:$0x3F9B]  }
0x1a: {  	s8 =	sadd.s32 $0xFFFFE003, lr  }
0x1b: {  	s9 =	sadd.s32 $0xFFFFFEF7, lr;
	s5 =	simm.s32 $0xFFFFFFFF;
	p2 =	slt.u32 s8, $0xFFFFF086  }
0x1c: {  	p1 =	slt.u32 s9, $0xF7A;
	s5 =	simm.s32 @!p2 $0x0  }
0x1d: {  	s5 =	simm.s32 @p1 $0x1;
	p0 =	seq.s32 s7, s2  }
0x1e: {  	s7 =	smul.u32 @!p0 $0xF7A, s2;
	p2 =	seq.s32 @!p0 s5, $0x0  }
0x1f: {  	s9 =	smul.u32 $0xF7A, s1;
	s8 =	simm.s32 @!p0 $0x1BF5;
	p2 =	por !p2, p0  }
0x20: {  	[sflag:s8] =	ssyncset.s32 @!p0 $0xFFFFF086;
	s6 =	sadd.s32 @!p0 s3, s7;
	s7 =	simm.s32 @!p0 $0x108  }
0x21: {  	s3 =	sadd.s32 s3, s9;
	s6 =	sadd.s32 @!p0 $0x88, s6;
	s7 =	simm.s32 @p2 $0x1082  }
0x22: {  	[simem:s7], [sflag:s8] =	dma.local @!p0 [hbm:s6], $0xF7A  }
0x23: {  	s9 =	sor.u32 $0xD0000000, s2;
	s6 =	simm.s32 $0x108;
	_ =	swait.ge @!p0 [sflag:s8], $0x0  }
0x24: {  	s3 =	sadd.s32 $0x88, s3;
	s6 =	simm.s32 @!p1 $0x1082;
	[sflag:s4] =	ssyncset.s32 $0xFFFFF086  }
0x25: {  	[simem:s6], [sflag:s4] =	dma.local [hbm:s3], $0xF7A  }
0x26: {  	[smem:$0x3F9B] =	sst s1;
	(tag) =	ssettag s2;
	_ =	strace s9  }
0x27: {  	s1 =	sld [smem:$0x3FAB]  }
0x28: {  	s2 =	sld [smem:$0x3FAC]  }
0x29: {  	s4 =	sld [smem:$0x3FAE]  }
0x2a: {  	p0 =	seq.s32 s5, $0x0;
	s5 =	sld [smem:$0x3FAF]  }
0x2b: {  	s6 =	sld [smem:$0x3FB0]  }
0x2c: {  	s7 =	sld [smem:$0x3FB1]  }
0x2d: {  	s3 =	simm.s32 $0x108;
	s8 =	sld [smem:$0x3FB2]  }
0x2e: {  	s3 =	simm.s32 @!p0 $0x1082;
	s9 =	sld [smem:$0x3FB3]  }
0x2f: {  	lr =	sadd.s32 s0, s3;
	s0 =	sld [smem:$0x3FAA]  }
0x30: {  	s3 =	sld [smem:$0x3FAD]  }
0x31: {  	[smem:$0x3FB6] =	sst s10  }
0x32: {  	s10 =	sld [smem:$0x3FB4];
	_ =	sdelay $0x3  }
0x33: {  	p0 =	seq.s32 s10, $0x1;
	s10 =	sld [smem:$0x3FB6];
	_ =	sdelay $0x3  }
0x34: {  	[smem:$0x3FB6] =	sst s10  }
0x35: {  	s10 =	sld [smem:$0x3FB5];
	_ =	sdelay $0x3  }
0x36: {  	p1 =	seq.s32 s10, $0x1;
	s10 =	sld [smem:$0x3FB6];
	_ =	sdelay $0x3  }
0x37: {  	[smem:$0x3FB6] =	sst s10  }
0x38: {  	s10 =	sld [smem:$0x3FB7]  }
0x39: {  	_ = 	snop;
	(pc) =	sbr.ind lr, $3  }
0x3a: {  	_ = 	snop  }
0x3b: {  	_ = 	snop  }
0x3c: {  	p2 =	seq.s32 s10, $0x1;
	s10 =	sld [smem:$0x3FB6]  }
0x3d: {  	_ =	shalt  }
0x3e: {  	_ =	shalt  }
0x3f: {  	_ =	shalt  }
0x40: {  	_ =	shalt  }
0x41: {  	_ =	shalt  }
0x42: {  	_ =	shalt  }
0x43: {  	_ =	shalt  }
0x44: {  	_ =	shalt  }
0x45: {  	_ =	shalt  }
0x46: {  	_ =	shalt  }
0x47: {  	_ =	shalt  }
0x48: {  	_ =	shalt  }
0x49: {  	_ =	shalt  }
0x4a: {  	_ =	shalt  }
0x4b: {  	_ =	shalt  }
0x4c: {  	_ =	shalt  }
0x4d: {  	_ =	shalt  }
0x4e: {  	_ =	shalt  }
0x4f: {  	_ =	shalt  }
0x50: {  	_ =	shalt  }
0x51: {  	_ =	shalt  }
0x52: {  	_ =	shalt  }
0x53: {  	_ =	shalt  }
0x54: {  	_ =	shalt  }
0x55: {  	_ =	shalt  }
0x56: {  	_ =	shalt  }
0x57: {  	_ =	shalt  }
0x58: {  	_ =	shalt  }
0x59: {  	_ =	shalt  }
0x5a: {  	_ =	shalt  }
0x5b: {  	_ =	shalt  }
0x5c: {  	_ =	shalt  }
0x5d: {  	_ =	shalt  }
0x5e: {  	_ =	shalt  }
0x5f: {  	_ =	shalt  }
0x60: {  	_ =	shalt  }
0x61: {  	_ =	shalt  }
0x62: {  	_ =	shalt  }
0x63: {  	_ =	shalt  }
0x64: {  	_ =	shalt  }
0x65: {  	_ =	shalt  }
0x66: {  	_ =	shalt  }
0x67: {  	_ =	shalt  }
0x68: {  	_ =	shalt  }
0x69: {  	_ =	shalt  }
0x6a: {  	_ =	shalt  }
0x6b: {  	_ =	shalt  }
0x6c: {  	_ =	shalt  }
0x6d: {  	_ =	shalt  }
0x6e: {  	_ =	shalt  }
0x6f: {  	_ =	shalt  }
0x70: {  	_ =	shalt  }
0x71: {  	_ =	shalt  }
0x72: {  	_ =	shalt  }
0x73: {  	_ =	shalt  }
0x74: {  	_ =	shalt  }
0x75: {  	_ =	shalt  }
0x76: {  	_ =	shalt  }
0x77: {  	_ =	shalt  }
0x78: {  	_ =	shalt  }
0x79: {  	_ =	shalt  }
0x7a: {  	_ =	shalt  }
0x7b: {  	_ =	shalt  }
0x7c: {  	_ =	shalt  }
0x7d: {  	_ =	shalt  }
0x7e: {  	_ =	shalt  }
0x7f: {  	_ =	shalt  }
0x80: {  	_ =	shalt  }
0x81: {  	_ =	shalt  }
0x82: {  	_ =	shalt  }
0x83: {  	_ =	shalt  }
0x84: {  	_ =	shalt  }
0x85: {  	_ =	shalt  }
0x86: {  	_ =	shalt  }
0x87: {  	_ =	shalt  }
.Lfunc_end0:
.L_simem_size_0:
called_computation_lowered:
.L_overlay_start_0:
0x88: {  	s2 =	sld [smem:$0x3FD9]  }
0x89: {  	s3 =	sld [smem:$0x3FFE];
	_ =	sdelay $0x1  }
0x8a: {  	s1 =	srdreg.scid  }
0x8b: {  	s0 =	sand.u32 $0x1, s1  }
0x8c: {  	s17 =	sshll.u32 s0, $0xA;
	s2 =	sadd.s32 s3, s2  }
0x8d: {  	s2 =	sadd.s32 s2, s17  }
0x8e: {  	[smem:$0x3FC2] =	sst s2  }
0x8f: {  	_ = 	snop  }
0x90: {  	s2 =	sld [smem:$0x3FD0];
	(tm) =	ssettm $0x1  }
0x91: {  	s18 =	sld [smem:$0x3FFB];
	_ =	sdelay $0x3  }
0x92: {  	_ =	strace s18  }
0x93: {  	s3 =	sld [smem:$0x3FFC];
	_ =	sdelay $0x3  }
0x94: {  	_ =	strace s3  }
0x95: {  	s3 =	sld [smem:$0x3FFD];
	_ =	sdelay $0x3  }
0x96: {  	_ =	strace s3  }
0x97: {  	_ =	strace $0x8FFFFFFF  }
0x98: {  	s19 =	sld [smem:$0x3FDB];
	_ =	sdelay $0x1  }
0x99: {  	s4 =	simm.s32 $_scs_section_size  }
0x9a: {  	s5 =	simm.s32 $_size__tile_overlayer_lowered;
	s6 =	simm.s32 $_tile_overlayer_lowered  }
0x9b: {  	s22 =	simm.s32 $0x1BFF;
	s21 =	sshll.u32 s6, $0x1;
	s3 =	sadd.s32 s4, s19  }
0x9c: {  	s7 =	simm.s32 $0x0;
	s20 =	sshll.u32 s5, $0x1;
	s5 =	sadd.s32 s21, s3  }
0x9d: {  	[timem:s7], [sflag:s22] =	dma.local [hbm:s5], s20  }
0x9e: {  	_ =	swait.ge [sflag:s22], s20  }
0x9f: {  	s4 =	ssub.s32 $0x0, s20;
	[sflag:s22] =	ssyncset.done $0x0  }
0xa0: {  	[sflag:s22] =	ssyncadd.s32 s4;
	_ =	sdelay $0x1  }
0xa1: {  	s23 =	simm.s32 $0x1B8B  }
0xa2: {  	_ =	swait.ge [sflag:s23], $0x1  }
0xa3: {  	[sflag:s23] =	ssyncset.done $0x0  }
0xa4: {  	s25 =	simm.s32 $0x1B8E;
	s24 =	sld [smem:$0x3FFE];
	[sflag:s23] =	ssyncadd.s32 $0xFFFFFFFF  }
0xa5: {  	s26 =	simm.s32 $execute0_lowered;
	[smem:$0x3FD2] =	sst s25  }
0xa6: {  	s5 =	sshll.u32 s26, $0x1;
	_ =	strace $0x80000046;
	[dreg:$0x1] =	wrdreg $0xFFFFFFFF  }
0xa7: {  	s28 =	simm.s32 $_size_execute0_lowered;
	s3 =	sadd.s32 s3, s5;
	[dreg:$0x0] =	wrdreg $0x0  }
0xa8: {  	s5 =	sshll.u32 s28, $0x1;
	[dreg:$0x2] =	wrdreg s3  }
0xa9: {  	[dreg:$0x3] =	wrdreg s5  }
0xaa: {  	[dreg:$0x4] =	wrdreg $0xC0  }
0xab: {  	_ =	task [dreg:s7], $0x5FFFF  }
0xac: {  	[dreg:$0x1] =	wrdreg $0xFFFFFFFF  }
0xad: {  	[dreg:$0x0] =	wrdreg $0x60  }
0xae: {  	[dreg:$0x2] =	wrdreg s24  }
0xaf: {  	[dreg:$0x3] =	wrdreg s2  }
0xb0: {  	[dreg:$0x4] =	wrdreg $0x9  }
0xb1: {  	_ =	task.clear_ibuf [dreg:s7], $0x5FFFF;
	_ =	strace $0x90000046  }
0xb2: {  	s29 =	simm.s32 $0x9;
	_ =	strace $0x80000048  }
0xb3: {  	_ =	swait.ge [sflag:s29], $0x1  }
0xb4: {  	[sflag:s29] =	ssyncadd.s32 $0xFFFFFFFF  }
0xb5: {  	_ =	strace $0x90000048  }
0xb6: {  	_ =	sfence  }
0xb7: {  	s30 =	sld [smem:$0x0];
	_ =	sdelay $0x2  }
0xb8: {  	s31 =	sshll.u32 s1, $0xD;
	s1 =	sshrl.u32 s1, $0x2  }
0xb9: {  	s3 =	sand.u32 $0x4000, s31;
	s1 =	sadd.s32 s1, s30  }
0xba: {  	s0 =	sor.u32 s3, s0;
	s1 =	sshll.u32 s1, $0x11  }
0xbb: {  	s0 =	sor.u32 s1, s0  }
0xbc: {  	s0 =	sadd.s32 $0x8F2B, s0  }
0xbd: {  	[sflag:s0] =	ssyncadd.remote.s32 $0x1  }
0xbe: {  	_ =	sfence.sel $0xFFFF  }
0xbf: {  	[dreg:$0x0] =	wrdreg $0xFFFFFFFF;
	(pc) =	sbr.abs _section_cstart, $3  }
0xc0: {  	[dreg:$0x1] =	wrdreg $0xFFFFFFFF  }
0xc1: {  	_ =	task.clear_ibuf [dreg:s7], $0x2FFFF;
	_ =	strace $0x9FFFFFFF  }
0xc2: {  	(tm) =	ssettm $0x7FFFFFFF  }
0xc3: {  	_ =	shalt  }
tec
execute0_lowered:
.L_overlay_start_1:
0x0: {  	(tag) =	ssettag $0x1  }
0x1: {  	s6 =	rddreg [dreg:$0x0]  }
0x2: {  	s8 =	rddreg [dreg:$0x1]  }
0x3: {  	s1 =	simm.s32 $0x0;
	s5 =	srdreg.scid;
	s0 =	stileid.u32  }
0x4: {  	s12 =	simm.s32 $0x6880;
	s13 =	simm.s32 $0x64;
	s14 =	simm.s32 $0x3400  }
0x5: {  	s15 =	simm.s32 $0x68;
	s16 =	simm.s32 $0x4D00;
	s17 =	simm.s32 $0x1  }
0x6: {  	s18 =	simm.s32 $0x2;
	s19 =	simm.s32 $0x6600;
	s20 =	simm.s32 $0x0  }
0x7: {  	[smem:$0x7FF] =	sst s1;
	s3 =	sadd.s32 $0x1200, s6;
	s4 =	sadd.s32 $0x69200, s6  }
0x8: {  	s7 =	sand.u32 $0x1, s5;
	s9 =	sshll.u32 s0, $0x1;
	s5 =	sadd.s32 $0x90400, s6  }
0x9: {  	s6 =	sadd.s32 $0x90600, s6;
	s10 =	ssub.s32 $0x2, s7;
	s7 =	sor.u32 s7, s9  }
0xa: {  	_ =	strace $0x80000047;
	s31 =	sshrl.u32 s10, $0x1;
	s11 =	sshll.u32 s7, $0x6  }
0xb: {  	s7 =	sshll.u32 s7, $0xA;
	s9 =	ssub.s32 s10, s31;
	s8 =	sadd.s32 s8, s11  }
0xc: {  	v0 =	vlaneseq.u32;
	s10 =	simm.s32 $0x6800;
	s11 =	simm.s32 $0x3;
	s9 =	smax.u32 s9, $0x1  }
.LBB2_1:
0xd: {  	[tilespmem:s10], [sflag:$0x3] =	stream.linear.gather [hbm4b:s5+s1], $0x80, $0x38;
	[tilespmem:$0x6890] =	vst v63  }
0xe: {  	_ =	swait.ge [sflag:s11], $0x80  }
0xf: {  	[sflag:s11] =	ssyncset.done $0x0  }
0x10: {  	[sflag:s11] =	ssyncadd.s32 $0xFFFFFF80  }
0x11: {  	[tilespmem:s12], [sflag:$0x3] =	stream.linear.gather [hbm4b:s6+s1], $0x10, $0x38;
	[tilespmem:$0x6890] =	vst v63  }
0x12: {  	_ =	swait.ge [sflag:s11], $0x10  }
0x13: {  	[sflag:s11] =	ssyncset.done $0x0  }
0x14: {  	[sflag:s11] =	ssyncadd.s32 $0xFFFFFFF0  }
0x15: {  	v1 =	vld [tilespmem:$0x6880];
	_ =	sdelay $0x4  }
0x16: {  	(v2sf) =	vpush v1, $0x0  }
0x17: {  	(v2sf) =	vpush v1, $0x1  }
0x18: {  	(v2sf) =	vpush v1, $0x2  }
0x19: {  	(v2sf) =	vpush v1, $0x3  }
0x1a: {  	(v2sf) =	vpush v1, $0x4;
	_ =	sdelay $0x7  }
0x1b: {  	v2 =	vld [tilespmem:$0x6810]  }
0x1c: {  	v3 =	vld [tilespmem:$0x6820]  }
0x1d: {  	v4 =	vld [tilespmem:$0x6830]  }
0x1e: {  	v5 =	vld [tilespmem:$0x6840];
	s21 =	spop (v2sf)  }
0x1f: {  	v6 =	vld [tilespmem:$0x6850];
	s22 =	spop (v2sf)  }
0x20: {  	v7 =	vld [tilespmem:$0x6860];
	s23 =	spop (v2sf)  }
0x21: {  	v8 =	vld [tilespmem:$0x6870];
	s24 =	spop (v2sf)  }
0x22: {  	v9 =	vimm.f32 $0.0e+00;
	s26 =	simm.s32 $0x0;
	v1 =	vld [tilespmem:$0x6800];
	s25 =	spop (v2sf)  }
.LBB2_2:
0x23: {  	s28 =	sshll.u32 s26, $0x7  }
0x24: {  	s28 =	sadd.s32 s7, s28  }
0x25: {  	s28 =	smul.u32 $0xD, s28;
	_ =	sdelay $0x1  }
0x26: {  	s29 =	sadd.s32 s3, s28;
	s28 =	simm.s32 $0x0  }
0x27: {  	[tilespmem:s28], [sflag:$0x3] =	stream.linear.gather [hbm4b:s29+s28], $0x3400, $0x38;
	[tilespmem:$0x6890] =	vst v63  }
0x28: {  	_ =	swait.ge [sflag:s11], $0x3400  }
0x29: {  	s31 =	sshll.u32 s26, $0x6;
	[sflag:s11] =	ssyncset.done $0x0  }
0x2a: {  	s29 =	sand.u32 $0x3FFFFFC0, s31;
	[sflag:s11] =	ssyncadd.s32 $0xFFFFCC00  }
0x2b: {  	[tilespmem:s14], [sflag:$0x1] =	stream.indirect.gather [hbm4b:s4+s13], $0x40, s28, s13, $0xb8;
	[tilespmem:$0x6890] =	vst v63  }
0x2c: {  	s29 =	sadd.s32 $0x6600, s29  }
0x2d: {  	v10 =	vmov s29;
	[tilespmem:s16], [sflag:$0x2] =	stream.indirect.gather [hbm4b:s4+s13], $0x40, s15, s13, $0xb8;
	[tilespmem:$0x6890] =	vst v63  }
.LBB2_3:
0x2e: {  	_ =	swait.ge [sflag:s17], $0x1900  }
0x2f: {  	[sflag:s17] =	ssyncset.done $0x0  }
0x30: {  	s30 =	simm.s32 $0x0;
	[sflag:s17] =	ssyncadd.s32 $0xFFFFE700  }
0x31: {  	v11 =	vld [tilespmem:s30+$0x34C0]  }
0x32: {  	v12 =	vld [tilespmem:s30+$0x34D0]  }
0x33: {  	v13 =	vld [tilespmem:s30+$0x3480]  }
0x34: {  	v14 =	vld [tilespmem:s30+$0x3490]  }
0x35: {  	v18 =	vld [tilespmem:s30+$0x3440]  }
0x36: {  	v19 =	vld [tilespmem:s30+$0x3450]  }
0x37: {  	v22 =	vld [tilespmem:s30+$0x3400]  }
0x38: {  	v16 =	vimm.f32 $0.0e+00;
	v24 =	vld [tilespmem:s30+$0x3410]  }
0x39: {  	s29 =	simm.s32 $0x400;
	v21 =	vimm.f32 $0.0e+00;
	v17 =	vimm.f32 $0.0e+00;
	v20 =	vimm.f32 $0.0e+00;
	v23 =	vld [tilespmem:s30+$0x3420]  }
.LBB2_4:
0x3a: {  	p0 =	sne.s32 s29, $0x6000;
	v15 =	vld [tilespmem:s30+$0x3430]  }
0x3b: {  	v25 =	vld [tilespmem:s30+$0x3460]  }
0x3c: {  	v26 =	vld [tilespmem:s30+$0x3470]  }
0x3d: {  	v27 =	vld [tilespmem:s30+$0x34A0]  }
0x3e: {  	v16 =	vadd.f32 v22, v16;
	v21 =	vadd.f32 v24, v21;
	v22 =	vld [tilespmem:s30+$0x34B0]  }
0x3f: {  	v17 =	vadd.f32 v23, v17;
	v15 =	vadd.f32 v15, v20;
	v20 =	vld [tilespmem:s30+$0x34E0]  }
0x40: {  	v16 =	vadd.f32 v18, v16;
	v18 =	vadd.f32 v19, v21;
	v19 =	vld [tilespmem:s30+$0x34F0];
	s30 =	sshra.s32 s29, $0x2  }
0x41: {  	v17 =	vadd.f32 v25, v17;
	v23 =	vld [tilespmem:s30+$0x34C0];
	v15 =	vadd.f32 v26, v15  }
0x42: {  	v16 =	vadd.f32 v13, v16;
	v18 =	vadd.f32 v14, v18;
	v24 =	vld [tilespmem:s30+$0x34D0]  }
0x43: {  	v17 =	vadd.f32 v27, v17;
	v13 =	vld [tilespmem:s30+$0x3480];
	v15 =	vadd.f32 v22, v15  }
0x44: {  	v16 =	vadd.f32 v11, v16;
	v21 =	vadd.f32 v12, v18;
	v14 =	vld [tilespmem:s30+$0x3490]  }
.Ltmp0:
0x45: {  	v17 =	vadd.f32 v20, v17;
	v18 =	vld [tilespmem:s30+$0x3440];
	v20 =	vadd.f32 v19, v15;
	(pc) =	sbr.rel @p0 .LBB2_4-.Ltmp0, $4  }
0x46: {  	v19 =	vld [tilespmem:s30+$0x3450];
	v11 =	vmov v23  }
0x47: {  	v22 =	vld [tilespmem:s30+$0x3400];
	v12 =	vmov v24  }
0x48: {  	v24 =	vld [tilespmem:s30+$0x3410]  }
0x49: {  	s29 =	sadd.s32 $0x400, s29;
	v23 =	vld [tilespmem:s30+$0x3420]  }
0x4a: {  	v25 =	vld [tilespmem:s30+$0x3430]  }
0x4b: {  	v26 =	vld [tilespmem:s30+$0x3460]  }
0x4c: {  	v27 =	vld [tilespmem:s30+$0x3470];
	p0 =	seq.s32 s28, $0x3F  }
0x4d: {  	v28 =	vld [tilespmem:s30+$0x34A0];
	s29 =	smul.u32 @!p0 $0x340, s28  }
0x4e: {  	v29 =	vld [tilespmem:s30+$0x34B0]  }
0x4f: {  	v30 =	vld [tilespmem:s30+$0x34E0];
	s29 =	sshra.s32 @!p0 s29, $0x2  }
0x50: {  	v31 =	vld [tilespmem:s30+$0x34F0];
	s31 =	simm.s32 @!p0 $0x64;
	s0 =	simm.s32 @!p0 $0x3400;
	s30 =	sadd.s32 @!p0 $0xD0, s29  }
0x51: {  	[tilespmem:s0], [sflag:$0x1] =	stream.indirect.gather @!p0 [hbm4b:s4+s31], $0x40, s30, s31, $0xb8;
	[tilespmem:$0x6890] =	vst v63  }
0x52: {  	_ =	swait.ge [sflag:s18], $0x1900  }
0x53: {  	[sflag:s18] =	ssyncset.done $0x0  }
0x54: {  	s30 =	simm.s32 $0x0;
	[sflag:s18] =	ssyncadd.s32 $0xFFFFE700  }
0x55: {  	v15 =	vld [tilespmem:s30+$0x4DC0]  }
0x56: {  	v22 =	vadd.f32 v22, v16;
	v21 =	vadd.f32 v24, v21;
	v16 =	vld [tilespmem:s30+$0x4DD0]  }
0x57: {  	v23 =	vadd.f32 v23, v17;
	v20 =	vadd.f32 v25, v20;
	v17 =	vld [tilespmem:s30+$0x4D80]  }
0x58: {  	v22 =	vadd.f32 v18, v22;
	v21 =	vadd.f32 v19, v21;
	v18 =	vld [tilespmem:s30+$0x4D90]  }
0x59: {  	v23 =	vadd.f32 v26, v23;
	v20 =	vadd.f32 v27, v20;
	v19 =	vld [tilespmem:s30+$0x4D40]  }
0x5a: {  	v22 =	vadd.f32 v13, v22;
	v62 =	vadd.f32 v14, v21;
	v13 =	vld [tilespmem:s30+$0x4D50]  }
0x5b: {  	v23 =	vadd.f32 v28, v23;
	v63 =	vadd.f32 v29, v20;
	v21 =	vld [tilespmem:s30+$0x4D00]  }
0x5c: {  	v14 =	vadd.f32 v11, v22;
	v12 =	vadd.f32 v12, v62;
	v22 =	vld [tilespmem:s30+$0x4D10]  }
0x5d: {  	s31 =	simm.s32 $0x400;
	v20 =	vadd.f32 v30, v23;
	v23 =	vld [tilespmem:s30+$0x4D20];
	v11 =	vadd.f32 v31, v63  }
.LBB2_6:
0x5e: {  	p1 =	sne.s32 s31, $0x6000;
	v24 =	vld [tilespmem:s30+$0x4D30]  }
0x5f: {  	v25 =	vld [tilespmem:s30+$0x4D60]  }
0x60: {  	v26 =	vld [tilespmem:s30+$0x4D70]  }
0x61: {  	v27 =	vld [tilespmem:s30+$0x4DA0]  }
0x62: {  	v14 =	vadd.f32 v21, v14;
	v12 =	vadd.f32 v22, v12;
	v21 =	vld [tilespmem:s30+$0x4DB0]  }
0x63: {  	v20 =	vadd.f32 v23, v20;
	v11 =	vadd.f32 v24, v11;
	v22 =	vld [tilespmem:s30+$0x4DE0]  }
0x64: {  	v14 =	vadd.f32 v19, v14;
	v12 =	vadd.f32 v13, v12;
	v13 =	vld [tilespmem:s30+$0x4DF0];
	s30 =	sshra.s32 s31, $0x2  }
0x65: {  	v19 =	vadd.f32 v25, v20;
	v23 =	vld [tilespmem:s30+$0x4DC0];
	v11 =	vadd.f32 v26, v11  }
0x66: {  	v14 =	vadd.f32 v17, v14;
	v12 =	vadd.f32 v18, v12;
	v24 =	vld [tilespmem:s30+$0x4DD0]  }
0x67: {  	v20 =	vadd.f32 v27, v19;
	v17 =	vld [tilespmem:s30+$0x4D80];
	v11 =	vadd.f32 v21, v11  }
0x68: {  	v14 =	vadd.f32 v15, v14;
	v12 =	vadd.f32 v16, v12;
	v18 =	vld [tilespmem:s30+$0x4D90]  }
.Ltmp1:
0x69: {  	v20 =	vadd.f32 v22, v20;
	v19 =	vld [tilespmem:s30+$0x4D40];
	v11 =	vadd.f32 v13, v11;
	(pc) =	sbr.rel @p1 .LBB2_6-.Ltmp1, $4  }
0x6a: {  	v13 =	vld [tilespmem:s30+$0x4D50];
	v15 =	vmov v23  }
0x6b: {  	v21 =	vld [tilespmem:s30+$0x4D00];
	v16 =	vmov v24  }
0x6c: {  	v22 =	vld [tilespmem:s30+$0x4D10]  }
0x6d: {  	s31 =	sadd.s32 $0x400, s31;
	v23 =	vld [tilespmem:s30+$0x4D20]  }
0x6e: {  	v24 =	vld [tilespmem:s30+$0x4D30]  }
0x6f: {  	v25 =	vld [tilespmem:s30+$0x4D60]  }
0x70: {  	v26 =	vld [tilespmem:s30+$0x4D70]  }
0x71: {  	v27 =	vld [tilespmem:s30+$0x4DA0];
	v14 =	vadd.f32 v21, v14;
	v12 =	vadd.f32 v22, v12  }
0x72: {  	v20 =	vadd.f32 v23, v20  }
0x73: {  	v53 =	vld [tilespmem:s30+$0x4DB0];
	v14 =	vadd.f32 v19, v14;
	v12 =	vadd.f32 v13, v12  }
0x74: {  	v54 =	vld [tilespmem:s30+$0x4DE0];
	v11 =	vadd.f32 v24, v11;
	v55 =	vadd.f32 v25, v20  }
0x75: {  	v56 =	vld [tilespmem:s30+$0x4DF0];
	v14 =	vadd.f32 v17, v14;
	v12 =	vadd.f32 v18, v12  }
0x76: {  	v11 =	vadd.f32 v26, v11;
	v57 =	vadd.f32 v27, v55  }
0x77: {  	v14 =	vadd.f32 v15, v14;
	v12 =	vadd.f32 v16, v12  }
0x78: {  	v11 =	vadd.f32 v53, v11  }
0x79: {  	v13 =	vadd.f32 v54, v57;
	v14 =	vmax.f32 v14, $0.0e+00;
	v12 =	vmax.f32 v12, $0.0e+00  }
0x7a: {  	v11 =	vadd.f32 v56, v11;
	v58 =	vmul.f32 v14, v1;
	v59 =	vmul.f32 v12, v2  }
0x7b: {  	v14 =	vmul.f32 v14, v5;
	v13 =	vmax.f32 v13, $0.0e+00;
	v12 =	vmul.f32 v12, v6  }
0x7c: {  	v60 =	vmul.f32 v13, v3;
	v15 =	vadd.f32 v59, v58  }
0x7d: {  	v11 =	vmax.f32 v11, $0.0e+00;
	v13 =	vmul.f32 v13, v7;
	v12 =	vadd.f32 v12, v14  }
0x7e: {  	v62 =	vmul.f32 v11, v4;
	v61 =	vadd.f32 v60, v15  }
0x7f: {  	v11 =	vmul.f32 v11, v8;
	v12 =	vadd.f32 v13, v12  }
0x80: {  	v63 =	vadd.f32 v62, v61  }
0x81: {  	v11 =	vadd.f32 v11, v12  }
0x82: {  	(xrf2) =	vadd.scan.msk.f32 $0xffff, v63  }
0x83: {  	(xrf2) =	vadd.scan.msk.f32 $0xffff, v11;
	_ =	sdelay $0x8  }
0x84: {  	v11, _, _ =	vpop (xrf2)  }
0x85: {  	(v2sf) =	vpush v11, $0xF;
	v11, _, _ =	vpop (xrf2)  }
0x86: {  	(v2sf) =	vpush v11, $0xF;
	_ =	sdelay $0xd  }
0x87: {  	s0 =	spop (v2sf)  }
0x88: {  	s0 =	sadd.f32 s0, s21;
	s31 =	spop (v2sf)  }
0x89: {  	s30 =	sadd.f32 s31, s22  }
0x8a: {  	s31 =	smin.f32 s0, $0.0e+00  }
0x8b: {  	s31 =	smul.f32 $9.999999770e-03, s31;
	s2 =	smin.f32 s30, $0.0e+00  }
0x8c: {  	s0 =	smax.f32 s0, $0.0e+00;
	s2 =	smul.f32 $9.999999770e-03, s2  }
0x8d: {  	s30 =	smax.f32 s30, $0.0e+00;
	s0 =	sadd.f32 s31, s0  }
0x8e: {  	s2 =	sadd.f32 s2, s30  }
0x8f: {  	s0 =	smul.f32 s0, s23  }
0x90: {  	s2 =	smul.f32 s2, s24;
	_ =	sdelay $0x1  }
0x91: {  	s0 =	sadd.f32 s2, s0  }
0x92: {  	s2 =	sadd.s32 @!p0 $0x138, s29;
	s29 =	sand.u32 $0xF, s28  }
0x93: {  	s31 =	simm.s32 @!p0 $0x4D00;
	s30 =	simm.s32 @!p0 $0x64;
	v11 =	vmov s29;
	s0 =	sadd.f32 s0, s25  }
0x94: {  	[tilespmem:s31], [sflag:$0x2] =	stream.indirect.gather @!p0 [hbm4b:s4+s30], $0x40, s2, s30, $0xb8;
	vm0 =	veq.s32 v11, v0;
	[tilespmem:$0x6890] =	vst v63  }
0x95: {  	p0 =	sne.s32 s29, $0xF;
	v9 =	vsel vm0, s0, v9  }
0x96: {  	[tilespmem:v10+s28+$0xFFFFFFF1 ss:$0x1] =	vst.idx.msk @!p0 $0xffff, v9;
	s28 =	sadd.s32 $0x1, s28  }
0x97: {  	p0 =	sne.s32 s28, $0x40  }
.Ltmp2:
0x98: {  	_ = 	snop;
	(pc) =	sbr.rel @p0 .LBB2_3-.Ltmp2, $1  }
0x99: {  	_ =	sdelay $0x3  }
0x9a: {  	s26 =	sadd.s32 $0x1, s26  }
0x9b: {  	p0 =	sne.s32 s26, $0x8  }
.Ltmp3:
0x9c: {  	_ = 	snop;
	(pc) =	sbr.rel @p0 .LBB2_2-.Ltmp3, $1  }
0x9d: {  	_ =	sdelay $0x3  }
0x9e: {  	s20 =	sadd.s32 $0x1, s20  }
0x9f: {  	p0 =	sne.s32 s20, s9  }
.Ltmp4:
0xa0: {  	_ = 	snop;
	(pc) =	sbr.rel @p0 .LBB2_1-.Ltmp4, $4  }
0xa1: {  	[hbm4b:s8+s1] =	stream.linear.scatter [tilespmem:s19], [sflag:$0x3], $0x200, $0x38;
	[tilespmem:$0x6890] =	vst v63  }
0xa2: {  	_ =	swait.ge [sflag:s11], $0x200  }
0xa3: {  	[sflag:s11] =	ssyncset.done $0x0  }
0xa4: {  	[sflag:s11] =	ssyncadd.s32 $0xFFFFFE00  }
0xa5: {  	_ =	sfence.sel $0x180000  }
0xa6: {  	[bflag:$0x0] =	sbarrier.arrive $0xFFFF  }
0xa7: {  	_ =	strace $0x90000047  }
0xa8: {  	s0 =	stileid.u32;
	[bflag:$0x2] =	sbarrier.arrive $0xFFFF  }
0xa9: {  	p0 =	sne.s32 s0, $0x0;
	s0 =	rddreg [dreg:$0x2]  }
0xaa: {  	s0 =	sadd.s32 @!p0 $0x100000, s0  }
0xab: {  	[sflag:s0] =	ssyncadd.tile.s32 @!p0 $0x1;
	_ =	shalt  }
.Lfunc_end2:
_tile_overlayer_lowered:
.L_overlay_start_2:
0xac: {  	(tag) =	ssettag $0x2  }
0xad: {  	s0 =	rddreg [dreg:$0x0];
	s2 =	stileid.u32  }
0xae: {  	s1 =	rddreg [dreg:$0x1];
	p0 =	sne.s32 s2, $0x0  }
0xaf: {  	s3 =	rddreg [dreg:$0x2];
	[bflag:$0x3] =	sbarrier.arrive $0xFFFF;
	s2 =	simm.s32 @!p0 $0x1C03  }
0xb0: {  	[timem:s3], [sflag:s2] =	dma.local @!p0 [hbm:s0], s1  }
0xb1: {  	s0 =	simm.s32 @!p0 $0x3  }
0xb2: {  	_ =	swait.ge @!p0 [sflag:s0], s1  }
0xb3: {  	s1 =	ssub.s32 @!p0 $0x0, s1;
	[sflag:s0] =	ssyncset.done @!p0 $0x0  }
0xb4: {  	[sflag:s0] =	ssyncadd.s32 @!p0 s1  }
0xb5: {  	[bflag:$0x3] =	sbarrier.arrive $0xFFFF  }
0xb6: {  	_ =	shalt  }

</sc_bundles>
